<compile_context>
chip_gen: v7x
topology: tpu7x:2x2x1
jax: 0.10.2.dev20260603
libtpu: 0.0.44.dev20260713+nightly
codegen_flags: <defaults>
</compile_context>

<pallas_src>
import functools

import jax
import jax.numpy as jnp
from jax import lax
from jax.experimental import pallas as pl
from jax.experimental.pallas import tpu as pltpu
from jax.experimental.pallas import tpu_sc as plsc

B = 16384
D = 32
NC, NS = 2, 16
NW = NC * NS
BPW = B // NW
N_ACTOR, N_COUNTRY, N_TYPE = 20, 4, 8
UCB = 17
UCW = 1 << UCB
KB_U = 8
KB_M = 1


def _scalar_offsets(idx, kb, dd):
    return ((((dd >> 3) * kb + (idx >> UCB)) << (UCB + 3))
            + ((dd & 7) << UCB) + (idx & (UCW - 1)))


def _sc_scalar_body(user_hbm, movie_hbm, uflat_hbm, mflat_hbm,
                    u_out, m_out,
                    uidx_v, midx_v, eu_v, em_v, du_v, dm_v, sem_s):
    wid = lax.axis_index("s") * NC + lax.axis_index("c")
    base = wid * BPW

    pltpu.sync_copy(user_hbm.at[pl.ds(base, BPW)], uidx_v)
    pltpu.sync_copy(movie_hbm.at[pl.ds(base, BPW)], midx_v)

    def gen_d(dd, carry):
        def gen_i(c, carry2):
            i16 = c * 16
            eu_v[dd, pl.ds(i16, 16)] = _scalar_offsets(
                uidx_v[pl.ds(i16, 16)], KB_U, dd)
            em_v[dd, pl.ds(i16, 16)] = _scalar_offsets(
                midx_v[pl.ds(i16, 16)], KB_M, dd)
            return carry2
        lax.fori_loop(0, BPW // 16, gen_i, 0)
        return carry
    lax.fori_loop(0, D, gen_d, 0)

    def fire(dd, carry):
        pltpu.async_copy(uflat_hbm.at[eu_v.at[dd]], du_v.at[dd], sem_s)
        pltpu.async_copy(mflat_hbm.at[em_v.at[dd]], dm_v.at[dd], sem_s)
        return carry
    lax.fori_loop(0, D, fire, 0)

    def drain(dd, carry):
        pltpu.make_async_copy(uflat_hbm.at[eu_v.at[0]], du_v.at[0], sem_s).wait()
        pltpu.make_async_copy(mflat_hbm.at[em_v.at[0]], dm_v.at[0], sem_s).wait()
        return carry
    lax.fori_loop(0, D, drain, 0)
    pltpu.sync_copy(du_v, u_out.at[:, pl.ds(base, BPW)])
    pltpu.sync_copy(dm_v, m_out.at[:, pl.ds(base, BPW)])


def _sc_scalar(user, movie, uflat, mflat):
    embT = jax.ShapeDtypeStruct((D, B), jnp.float32)
    run = pl.kernel(
        _sc_scalar_body,
        out_type=(embT, embT),
        mesh=plsc.VectorSubcoreMesh(core_axis_name="c", subcore_axis_name="s",
                                    num_cores=NC, num_subcores=NS),
        scratch_types=[
            pltpu.VMEM((BPW,), jnp.int32),
            pltpu.VMEM((BPW,), jnp.int32),
            pltpu.VMEM((D, BPW), jnp.int32),
            pltpu.VMEM((D, BPW), jnp.int32),
            pltpu.VMEM((D, BPW), jnp.float32),
            pltpu.VMEM((D, BPW), jnp.float32),
            pltpu.SemaphoreType.DMA,
        ],
        compiler_params=pltpu.CompilerParams(use_tc_tiling_on_sc=False),
    )
    return run(user, movie, uflat, mflat)


def _sc_pooled_body(actor_hbm, country_hbm, type_hbm,
                    at_hbm, ct_hbm, tt_hbm,
                    a_out, c_out, t_out,
                    aidx_v, cidx_v, tidx_v, acc_a, acc_a2, acc_c, acc_t,
                    sem_a, sem_a2, sem_c, sem_t):
    wid = lax.axis_index("s") * NC + lax.axis_index("c")
    base = wid * BPW

    pltpu.sync_copy(actor_hbm.at[:, pl.ds(base, BPW)], aidx_v)
    pltpu.sync_copy(country_hbm.at[:, pl.ds(base, BPW)], cidx_v)
    pltpu.sync_copy(type_hbm.at[:, pl.ds(base, BPW)], tidx_v)

    def fire_p(table, idx_v, j, acc, sem, add):
        pltpu.async_copy(table.at[idx_v.at[j]], acc, sem, add=add)

    def wait_p(table, idx_v, acc, sem):
        pltpu.make_async_copy(table.at[idx_v.at[0]], acc, sem).wait()

    fire_p(at_hbm, aidx_v, 0, acc_a, sem_a, False)
    fire_p(at_hbm, aidx_v, 1, acc_a2, sem_a2, False)
    fire_p(ct_hbm, cidx_v, 0, acc_c, sem_c, False)
    fire_p(tt_hbm, tidx_v, 0, acc_t, sem_t, False)

    def step4(j, carry):
        wait_p(at_hbm, aidx_v, acc_a, sem_a)
        fire_p(at_hbm, aidx_v, 2 * j, acc_a, sem_a, True)
        wait_p(at_hbm, aidx_v, acc_a2, sem_a2)
        fire_p(at_hbm, aidx_v, 2 * j + 1, acc_a2, sem_a2, True)
        wait_p(ct_hbm, cidx_v, acc_c, sem_c)
        fire_p(ct_hbm, cidx_v, j, acc_c, sem_c, True)
        wait_p(tt_hbm, tidx_v, acc_t, sem_t)
        fire_p(tt_hbm, tidx_v, j, acc_t, sem_t, True)
        return carry
    lax.fori_loop(1, N_COUNTRY, step4, 0)

    def step3(j, carry):
        wait_p(at_hbm, aidx_v, acc_a, sem_a)
        fire_p(at_hbm, aidx_v, 2 * j, acc_a, sem_a, True)
        wait_p(at_hbm, aidx_v, acc_a2, sem_a2)
        fire_p(at_hbm, aidx_v, 2 * j + 1, acc_a2, sem_a2, True)
        wait_p(tt_hbm, tidx_v, acc_t, sem_t)
        fire_p(tt_hbm, tidx_v, j, acc_t, sem_t, True)
        return carry
    lax.fori_loop(N_COUNTRY, N_TYPE, step3, 0)

    def step2(j, carry):
        wait_p(at_hbm, aidx_v, acc_a, sem_a)
        fire_p(at_hbm, aidx_v, 2 * j, acc_a, sem_a, True)
        wait_p(at_hbm, aidx_v, acc_a2, sem_a2)
        fire_p(at_hbm, aidx_v, 2 * j + 1, acc_a2, sem_a2, True)
        return carry
    lax.fori_loop(N_TYPE, N_ACTOR // 2, step2, 0)

    wait_p(ct_hbm, cidx_v, acc_c, sem_c)
    pltpu.sync_copy(acc_c, c_out.at[pl.ds(base, BPW)])
    wait_p(tt_hbm, tidx_v, acc_t, sem_t)
    pltpu.sync_copy(acc_t, t_out.at[pl.ds(base, BPW)])
    wait_p(at_hbm, aidx_v, acc_a, sem_a)
    wait_p(at_hbm, aidx_v, acc_a2, sem_a2)

    def merge(i, carry):
        r = i >> 1
        c16 = (i & 1) * 16
        acc_a[r, pl.ds(c16, 16)] = (acc_a[r, pl.ds(c16, 16)]
                                    + acc_a2[r, pl.ds(c16, 16)])
        return carry
    lax.fori_loop(0, BPW * 2, merge, 0)
    pltpu.sync_copy(acc_a, a_out.at[pl.ds(base, BPW)])


def _sc_pooled(actor_t, country_t, type_t,
               actor_table, country_table, type_table):
    emb = jax.ShapeDtypeStruct((B, D), jnp.float32)
    run = pl.kernel(
        _sc_pooled_body,
        out_type=(emb, emb, emb),
        mesh=plsc.VectorSubcoreMesh(core_axis_name="c", subcore_axis_name="s",
                                    num_cores=NC, num_subcores=NS),
        scratch_types=[
            pltpu.VMEM((N_ACTOR, BPW), jnp.int32),
            pltpu.VMEM((N_COUNTRY, BPW), jnp.int32),
            pltpu.VMEM((N_TYPE, BPW), jnp.int32),
            pltpu.VMEM((BPW, D), jnp.float32),
            pltpu.VMEM((BPW, D), jnp.float32),
            pltpu.VMEM((BPW, D), jnp.float32),
            pltpu.VMEM((BPW, D), jnp.float32),
            pltpu.SemaphoreType.DMA,
            pltpu.SemaphoreType.DMA,
            pltpu.SemaphoreType.DMA,
            pltpu.SemaphoreType.DMA,
        ],
        compiler_params=pltpu.CompilerParams(use_tc_tiling_on_sc=False),
    )
    return run(actor_t, country_t, type_t,
               actor_table, country_table, type_table)


def _detile_body(inp, out):
    out[...] = inp[...].reshape(8 * UCW)


def _detile(tT, kb):
    grid = (D // 8, kb)
    return pl.pallas_call(
        _detile_body,
        grid=grid,
        in_specs=[pl.BlockSpec((8, UCW), lambda d8, k: (d8, k))],
        out_specs=pl.BlockSpec((8 * UCW,), lambda d8, k: (d8 * kb + k,)),
        out_shape=jax.ShapeDtypeStruct((D * kb * UCW,), jnp.float32),
    )(tT)


def _mlp_body(uT, mT, a, c, t, w1, b1, w2, b2, w3, b3, out):
    f32 = jnp.float32
    dn0 = (((0,), (0,)), ((), ()))
    h = (lax.dot_general(uT[...], w1[0:D, :], dn0, preferred_element_type=f32)
         + lax.dot_general(mT[...], w1[D:2 * D, :], dn0, preferred_element_type=f32)
         + jnp.dot(a[...] * (1.0 / N_ACTOR), w1[2 * D:3 * D, :], preferred_element_type=f32)
         + jnp.dot(c[...] * (1.0 / N_COUNTRY), w1[3 * D:4 * D, :], preferred_element_type=f32)
         + jnp.dot(t[...] * (1.0 / N_TYPE), w1[4 * D:5 * D, :], preferred_element_type=f32)
         + b1[...])
    h = jnp.maximum(h, 0.0)
    h2 = jnp.maximum(jnp.dot(h, w2[...], preferred_element_type=f32) + b2[...], 0.0)
    out[...] = jnp.dot(h2, w3[...], preferred_element_type=f32) + b3[...]


def _mlp(uT, mT, a, c, t, W1, b1, W2, b2, W3, b3):
    BM = 4096
    grid = (B // BM,)
    emb_spec = pl.BlockSpec((BM, D), lambda i: (i, 0))
    embT_spec = pl.BlockSpec((D, BM), lambda i: (0, i))
    full = lambda s: pl.BlockSpec(s, lambda i: tuple(0 for _ in s))
    return pl.pallas_call(
        _mlp_body,
        grid=grid,
        in_specs=[embT_spec, embT_spec, emb_spec, emb_spec, emb_spec,
                  full((5 * D, 64)), full((64,)), full((64, 32)), full((32,)),
                  full((32, 1)), full((1,))],
        out_specs=pl.BlockSpec((BM, 1), lambda i: (i, 0)),
        out_shape=jax.ShapeDtypeStruct((B, 1), jnp.float32),
    )(uT, mT, a, c, t, W1, b1, W2, b2, W3, b3)


def kernel(user, movie, actor, country, movie_type,
           user_table, movie_table, actor_table, country_table, type_table,
           W1, b1, W2, b2, W3, b3):
    user = user.astype(jnp.int32)
    actor_t = actor.T
    country_t = country.T
    type_t = movie_type.T
    a, c, t = _sc_pooled(actor_t, country_t, type_t,
                         actor_table, country_table, type_table)
    uflat = _detile(user_table.T, KB_U)
    mflat = _detile(movie_table.T, KB_M)
    u, m = _sc_scalar(user, movie, uflat, mflat)
    y = _mlp(u, m, a, c, t, W1, b1, W2, b2, W3, b3)
    return jnp.squeeze(y, axis=-1)

# --- scband reference (transcript-rebuilt; emitter-appended) ---
"""Pipeline reference for scband-content-based-model-17102559772865 (READ-ONLY COPY).

The authoritative reference and input builder live on the scoring server;
editing this copy changes nothing except your own understanding.
"""

import jax, jax.numpy as jnp
import numpy as np

B = 16384
NUM_USERS = 1000000
NUM_MOVIES = 100000
NUM_ACTORS = 100000
NUM_COUNTRIES = 1000
NUM_TYPES = 1000
D = 32
H1, H2 = 64, 32


def setup_inputs(seed: int = 0) -> dict:
    key = jax.random.key(seed)
    ks = jax.random.split(key, 16)
    user = jax.random.randint(ks[0], (B,), 0, NUM_USERS, dtype=jnp.int64 if jax.config.jax_enable_x64 else jnp.int32)
    movie = jax.random.randint(ks[1], (B,), 0, NUM_MOVIES, dtype=jnp.int32)
    actor = jax.random.randint(ks[2], (B, 20), 0, NUM_ACTORS, dtype=jnp.int32)
    country = jax.random.randint(ks[3], (B, 4), 0, NUM_COUNTRIES, dtype=jnp.int32)
    movie_type = jax.random.randint(ks[4], (B, 8), 0, NUM_TYPES, dtype=jnp.int32)
    user_table = jax.random.normal(ks[5], (NUM_USERS, D), dtype=jnp.float32) * 0.05
    movie_table = jax.random.normal(ks[6], (NUM_MOVIES, D), dtype=jnp.float32) * 0.05
    actor_table = jax.random.normal(ks[7], (NUM_ACTORS, D), dtype=jnp.float32) * 0.05
    country_table = jax.random.normal(ks[8], (NUM_COUNTRIES, D), dtype=jnp.float32) * 0.05
    type_table = jax.random.normal(ks[9], (NUM_TYPES, D), dtype=jnp.float32) * 0.05
    W1 = jax.random.normal(ks[10], (5 * D, H1), dtype=jnp.float32) * (1.0 / np.sqrt(5 * D))
    b1 = jnp.zeros((H1,), dtype=jnp.float32)
    W2 = jax.random.normal(ks[11], (H1, H2), dtype=jnp.float32) * (1.0 / np.sqrt(H1))
    b2 = jnp.zeros((H2,), dtype=jnp.float32)
    W3 = jax.random.normal(ks[12], (H2, 1), dtype=jnp.float32) * (1.0 / np.sqrt(H2))
    b3 = jnp.zeros((1,), dtype=jnp.float32)
    return {"user": user, "movie": movie, "actor": actor, "country": country,
            "movie_type": movie_type, "user_table": user_table, "movie_table": movie_table,
            "actor_table": actor_table, "country_table": country_table, "type_table": type_table,
            "W1": W1, "b1": b1, "W2": W2, "b2": b2, "W3": W3, "b3": b3}


def reference(user, movie, actor, country, movie_type,
              user_table, movie_table, actor_table, country_table, type_table,
              W1, b1, W2, b2, W3, b3):
    user_emb = jnp.take(user_table, user, axis=0)
    movie_emb = jnp.take(movie_table, movie, axis=0)
    actor_emb = jnp.mean(jnp.take(actor_table, actor, axis=0), axis=1)
    country_emb = jnp.mean(jnp.take(country_table, country, axis=0), axis=1)
    type_emb = jnp.mean(jnp.take(type_table, movie_type, axis=0), axis=1)
    x = jnp.concatenate([user_emb, movie_emb, actor_emb, country_emb, type_emb], axis=1)
    x = jax.nn.relu(x @ W1 + b1)
    x = jax.nn.relu(x @ W2 + b2)
    x = x @ W3 + b3
    return jnp.squeeze(x, axis=-1)

if __name__ == "__main__":
    import jax
    _d = setup_inputs()
    print(jax.jit(kernel)(*tuple(_d.values())))

</pallas_src>

<mosaic_0001>
#map = affine_map<(d0, d1) -> (0, 0)>
module attributes {stable_mosaic.version = 14 : i64} {
  func.func @_sc_pooled_body(%arg0: i32, %arg1: i32, %arg2: memref<20x16384xi32, #tpu.memory_space<hbm>>, %arg3: memref<4x16384xi32, #tpu.memory_space<hbm>>, %arg4: memref<8x16384xi32, #tpu.memory_space<hbm>>, %arg5: memref<100000x32xf32, #tpu.memory_space<hbm>>, %arg6: memref<1000x32xf32, #tpu.memory_space<hbm>>, %arg7: memref<1000x32xf32, #tpu.memory_space<hbm>>, %arg8: memref<16384x32xf32, #tpu.memory_space<hbm>>, %arg9: memref<16384x32xf32, #tpu.memory_space<hbm>>, %arg10: memref<16384x32xf32, #tpu.memory_space<hbm>>, %arg11: memref<20x512xi32, #tpu.memory_space<vmem>>, %arg12: memref<4x512xi32, #tpu.memory_space<vmem>>, %arg13: memref<8x512xi32, #tpu.memory_space<vmem>>, %arg14: memref<512x32xf32, #tpu.memory_space<vmem>>, %arg15: memref<512x32xf32, #tpu.memory_space<vmem>>, %arg16: memref<512x32xf32, #tpu.memory_space<vmem>>, %arg17: memref<512x32xf32, #tpu.memory_space<vmem>>, %arg18: memref<!tpu.dma_semaphore, #tpu.memory_space<semaphore_mem>>, %arg19: memref<!tpu.dma_semaphore, #tpu.memory_space<semaphore_mem>>, %arg20: memref<!tpu.dma_semaphore, #tpu.memory_space<semaphore_mem>>, %arg21: memref<!tpu.dma_semaphore, #tpu.memory_space<semaphore_mem>>) attributes {dimension_semantics = [#tpu.dimension_semantics<core_parallel>, #tpu.dimension_semantics<subcore_parallel>], iteration_bounds = array<i64: 2, 16>, scalar_prefetch = 0 : i64, scratch_operands = 11 : i64, tpu.core_type = #tpu.core_type<sc_vector_subcore>, window_params = [{transform_indices = #map}, {transform_indices = #map}, {transform_indices = #map}, {transform_indices = #map}, {transform_indices = #map}, {transform_indices = #map}, {transform_indices = #map}, {transform_indices = #map}, {transform_indices = #map}]} {
    %mul3A = arith.constant 2 : i32
    %mul3A_0 = arith.muli %arg1, %mul3A : i32
    %add3A = arith.addi %mul3A_0, %arg0 : i32
    %mul3A_1 = arith.constant 512 : i32
    %mul3A_2 = arith.muli %add3A, %mul3A_1 : i32
    "tpu.region"() ({
      %run_scoped3A = tpu.sem_alloc : memref<!tpu.dma_semaphore, #tpu.memory_space<semaphore_mem>>
      %dma_start3A_80 = arith.constant 0 : i32
      %dma_start3A_81 = tpu.memref_slice %arg2[%dma_start3A_80, %mul3A_2] : memref<20x16384xi32, #tpu.memory_space<hbm>> -> memref<20x512xi32, #tpu.memory_space<hbm>>
      %dma_start3A_82 = arith.constant 0 : i32
      %dma_start3A_83 = tpu.memref_slice %arg2[%dma_start3A_82, %mul3A_2] : memref<20x16384xi32, #tpu.memory_space<hbm>> -> memref<20x512xi32, #tpu.memory_space<hbm>>
      tpu.enqueue_dma source(%dma_start3A_83 : memref<20x512xi32, #tpu.memory_space<hbm>>) target(%arg11 : memref<20x512xi32, #tpu.memory_space<vmem>>) target_semaphore(%run_scoped3A : memref<!tpu.dma_semaphore, #tpu.memory_space<semaphore_mem>>)
      %dma_wait3A_84 = arith.constant 0 : i32
      %dma_wait3A_85 = tpu.memref_slice %arg2[%dma_wait3A_84, %mul3A_2] : memref<20x16384xi32, #tpu.memory_space<hbm>> -> memref<20x512xi32, #tpu.memory_space<hbm>>
      %dma_wait3A_86 = arith.constant 0 : i32
      %dma_wait3A_87 = tpu.memref_slice %arg2[%dma_wait3A_86, %mul3A_2] : memref<20x16384xi32, #tpu.memory_space<hbm>> -> memref<20x512xi32, #tpu.memory_space<hbm>>
      tpu.wait_dma2 semaphore(%run_scoped3A : memref<!tpu.dma_semaphore, #tpu.memory_space<semaphore_mem>>) src(%dma_wait3A_87 : memref<20x512xi32, #tpu.memory_space<hbm>>) dst(%arg11 : memref<20x512xi32, #tpu.memory_space<vmem>>)
      tpu.yield
    }) : () -> ()
    "tpu.region"() ({
      %run_scoped3A = tpu.sem_alloc : memref<!tpu.dma_semaphore, #tpu.memory_space<semaphore_mem>>
      %dma_start3A_80 = arith.constant 0 : i32
      %dma_start3A_81 = tpu.memref_slice %arg3[%dma_start3A_80, %mul3A_2] : memref<4x16384xi32, #tpu.memory_space<hbm>> -> memref<4x512xi32, #tpu.memory_space<hbm>>
      %dma_start3A_82 = arith.constant 0 : i32
      %dma_start3A_83 = tpu.memref_slice %arg3[%dma_start3A_82, %mul3A_2] : memref<4x16384xi32, #tpu.memory_space<hbm>> -> memref<4x512xi32, #tpu.memory_space<hbm>>
      tpu.enqueue_dma source(%dma_start3A_83 : memref<4x512xi32, #tpu.memory_space<hbm>>) target(%arg12 : memref<4x512xi32, #tpu.memory_space<vmem>>) target_semaphore(%run_scoped3A : memref<!tpu.dma_semaphore, #tpu.memory_space<semaphore_mem>>)
      %dma_wait3A_84 = arith.constant 0 : i32
      %dma_wait3A_85 = tpu.memref_slice %arg3[%dma_wait3A_84, %mul3A_2] : memref<4x16384xi32, #tpu.memory_space<hbm>> -> memref<4x512xi32, #tpu.memory_space<hbm>>
      %dma_wait3A_86 = arith.constant 0 : i32
      %dma_wait3A_87 = tpu.memref_slice %arg3[%dma_wait3A_86, %mul3A_2] : memref<4x16384xi32, #tpu.memory_space<hbm>> -> memref<4x512xi32, #tpu.memory_space<hbm>>
      tpu.wait_dma2 semaphore(%run_scoped3A : memref<!tpu.dma_semaphore, #tpu.memory_space<semaphore_mem>>) src(%dma_wait3A_87 : memref<4x512xi32, #tpu.memory_space<hbm>>) dst(%arg12 : memref<4x512xi32, #tpu.memory_space<vmem>>)
      tpu.yield
    }) : () -> ()
    "tpu.region"() ({
      %run_scoped3A = tpu.sem_alloc : memref<!tpu.dma_semaphore, #tpu.memory_space<semaphore_mem>>
      %dma_start3A_80 = arith.constant 0 : i32
      %dma_start3A_81 = tpu.memref_slice %arg4[%dma_start3A_80, %mul3A_2] : memref<8x16384xi32, #tpu.memory_space<hbm>> -> memref<8x512xi32, #tpu.memory_space<hbm>>
      %dma_start3A_82 = arith.constant 0 : i32
      %dma_start3A_83 = tpu.memref_slice %arg4[%dma_start3A_82, %mul3A_2] : memref<8x16384xi32, #tpu.memory_space<hbm>> -> memref<8x512xi32, #tpu.memory_space<hbm>>
      tpu.enqueue_dma source(%dma_start3A_83 : memref<8x512xi32, #tpu.memory_space<hbm>>) target(%arg13 : memref<8x512xi32, #tpu.memory_space<vmem>>) target_semaphore(%run_scoped3A : memref<!tpu.dma_semaphore, #tpu.memory_space<semaphore_mem>>)
      %dma_wait3A_84 = arith.constant 0 : i32
      %dma_wait3A_85 = tpu.memref_slice %arg4[%dma_wait3A_84, %mul3A_2] : memref<8x16384xi32, #tpu.memory_space<hbm>> -> memref<8x512xi32, #tpu.memory_space<hbm>>
      %dma_wait3A_86 = arith.constant 0 : i32
      %dma_wait3A_87 = tpu.memref_slice %arg4[%dma_wait3A_86, %mul3A_2] : memref<8x16384xi32, #tpu.memory_space<hbm>> -> memref<8x512xi32, #tpu.memory_space<hbm>>
      tpu.wait_dma2 semaphore(%run_scoped3A : memref<!tpu.dma_semaphore, #tpu.memory_space<semaphore_mem>>) src(%dma_wait3A_87 : memref<8x512xi32, #tpu.memory_space<hbm>>) dst(%arg13 : memref<8x512xi32, #tpu.memory_space<vmem>>)
      tpu.yield
    }) : () -> ()
    %dma_start3A = arith.constant 0 : i32
    %dma_start3A_3 = arith.constant 0 : i32
    %dma_start3A_4 = tpu.memref_slice %arg11[%dma_start3A, %dma_start3A_3] : memref<20x512xi32, #tpu.memory_space<vmem>> -> memref<1x512xi32, #tpu.memory_space<vmem>>
    %dma_start3A_5 = tpu.memref_squeeze %dma_start3A_4 : memref<1x512xi32, #tpu.memory_space<vmem>> -> memref<512xi32, #tpu.memory_space<vmem>>
    %dma_start3A_6 = arith.constant 0 : i32
    %dma_start3A_7 = arith.constant 0 : i32
    %dma_start3A_8 = tpu.memref_slice %arg5[%dma_start3A_6, %dma_start3A_7] : memref<100000x32xf32, #tpu.memory_space<hbm>> -> memref<100000x32xf32, #tpu.memory_space<hbm>>
    tpu.enqueue_indirect_dma source(%dma_start3A_8 : memref<100000x32xf32, #tpu.memory_space<hbm>>) target(%arg14 : memref<512x32xf32, #tpu.memory_space<vmem>>) offsets(%dma_start3A_5 : memref<512xi32, #tpu.memory_space<vmem>>) semaphore(%arg18 : memref<!tpu.dma_semaphore, #tpu.memory_space<semaphore_mem>>)
    %dma_start3A_9 = arith.constant 1 : i32
    %dma_start3A_10 = arith.constant 0 : i32
    %dma_start3A_11 = tpu.memref_slice %arg11[%dma_start3A_9, %dma_start3A_10] : memref<20x512xi32, #tpu.memory_space<vmem>> -> memref<1x512xi32, #tpu.memory_space<vmem>>
    %dma_start3A_12 = tpu.memref_squeeze %dma_start3A_11 : memref<1x512xi32, #tpu.memory_space<vmem>> -> memref<512xi32, #tpu.memory_space<vmem>>
    %dma_start3A_13 = arith.constant 0 : i32
    %dma_start3A_14 = arith.constant 0 : i32
    %dma_start3A_15 = tpu.memref_slice %arg5[%dma_start3A_13, %dma_start3A_14] : memref<100000x32xf32, #tpu.memory_space<hbm>> -> memref<100000x32xf32, #tpu.memory_space<hbm>>
    tpu.enqueue_indirect_dma source(%dma_start3A_15 : memref<100000x32xf32, #tpu.memory_space<hbm>>) target(%arg15 : memref<512x32xf32, #tpu.memory_space<vmem>>) offsets(%dma_start3A_12 : memref<512xi32, #tpu.memory_space<vmem>>) semaphore(%arg19 : memref<!tpu.dma_semaphore, #tpu.memory_space<semaphore_mem>>)
    %dma_start3A_16 = arith.constant 0 : i32
    %dma_start3A_17 = arith.constant 0 : i32
    %dma_start3A_18 = tpu.memref_slice %arg12[%dma_start3A_16, %dma_start3A_17] : memref<4x512xi32, #tpu.memory_space<vmem>> -> memref<1x512xi32, #tpu.memory_space<vmem>>
    %dma_start3A_19 = tpu.memref_squeeze %dma_start3A_18 : memref<1x512xi32, #tpu.memory_space<vmem>> -> memref<512xi32, #tpu.memory_space<vmem>>
    %dma_start3A_20 = arith.constant 0 : i32
    %dma_start3A_21 = arith.constant 0 : i32
    %dma_start3A_22 = tpu.memref_slice %arg6[%dma_start3A_20, %dma_start3A_21] : memref<1000x32xf32, #tpu.memory_space<hbm>> -> memref<1000x32xf32, #tpu.memory_space<hbm>>
    tpu.enqueue_indirect_dma source(%dma_start3A_22 : memref<1000x32xf32, #tpu.memory_space<hbm>>) target(%arg16 : memref<512x32xf32, #tpu.memory_space<vmem>>) offsets(%dma_start3A_19 : memref<512xi32, #tpu.memory_space<vmem>>) semaphore(%arg20 : memref<!tpu.dma_semaphore, #tpu.memory_space<semaphore_mem>>)
    %dma_start3A_23 = arith.constant 0 : i32
    %dma_start3A_24 = arith.constant 0 : i32
    %dma_start3A_25 = tpu.memref_slice %arg13[%dma_start3A_23, %dma_start3A_24] : memref<8x512xi32, #tpu.memory_space<vmem>> -> memref<1x512xi32, #tpu.memory_space<vmem>>
    %dma_start3A_26 = tpu.memref_squeeze %dma_start3A_25 : memref<1x512xi32, #tpu.memory_space<vmem>> -> memref<512xi32, #tpu.memory_space<vmem>>
    %dma_start3A_27 = arith.constant 0 : i32
    %dma_start3A_28 = arith.constant 0 : i32
    %dma_start3A_29 = tpu.memref_slice %arg7[%dma_start3A_27, %dma_start3A_28] : memref<1000x32xf32, #tpu.memory_space<hbm>> -> memref<1000x32xf32, #tpu.memory_space<hbm>>
    tpu.enqueue_indirect_dma source(%dma_start3A_29 : memref<1000x32xf32, #tpu.memory_space<hbm>>) target(%arg17 : memref<512x32xf32, #tpu.memory_space<vmem>>) offsets(%dma_start3A_26 : memref<512xi32, #tpu.memory_space<vmem>>) semaphore(%arg21 : memref<!tpu.dma_semaphore, #tpu.memory_space<semaphore_mem>>)
    %scan3A = arith.constant 0 : i32
    %scan3A_30 = arith.constant 1 : i32
    %scan3A_31 = arith.constant 3 : i32
    %scan3A_32 = arith.addi %scan3A_30, %scan3A_31 : i32
    %scan3A_33 = arith.constant 1 : i32
    scf.for %scan3A_80 = %scan3A_30 to %scan3A_32 step %scan3A_33  : i32 {
      %dma_wait3A_81 = arith.constant 0 : i32
      %dma_wait3A_82 = arith.constant 0 : i32
      %dma_wait3A_83 = tpu.memref_slice %arg11[%dma_wait3A_81, %dma_wait3A_82] : memref<20x512xi32, #tpu.memory_space<vmem>> -> memref<1x512xi32, #tpu.memory_space<vmem>>
      %dma_wait3A_84 = tpu.memref_squeeze %dma_wait3A_83 : memref<1x512xi32, #tpu.memory_space<vmem>> -> memref<512xi32, #tpu.memory_space<vmem>>
      %dma_wait3A_85 = arith.constant 0 : i32
      %dma_wait3A_86 = arith.constant 0 : i32
      %dma_wait3A_87 = tpu.memref_slice %arg5[%dma_wait3A_85, %dma_wait3A_86] : memref<100000x32xf32, #tpu.memory_space<hbm>> -> memref<100000x32xf32, #tpu.memory_space<hbm>>
      tpu.wait_indirect_dma semaphore(%arg18 : memref<!tpu.dma_semaphore, #tpu.memory_space<semaphore_mem>>) src(%dma_wait3A_87 : memref<100000x32xf32, #tpu.memory_space<hbm>>) dst(%arg14 : memref<512x32xf32, #tpu.memory_space<vmem>>)
      %mul3A_88 = arith.constant 2 : i32
      %mul3A_89 = arith.muli %mul3A_88, %scan3A_80 : i32
      %dma_start3A_90 = arith.constant 0 : i32
      %dma_start3A_91 = tpu.memref_slice %arg11[%mul3A_89, %dma_start3A_90] : memref<20x512xi32, #tpu.memory_space<vmem>> -> memref<1x512xi32, #tpu.memory_space<vmem>>
      %dma_start3A_92 = tpu.memref_squeeze %dma_start3A_91 : memref<1x512xi32, #tpu.memory_space<vmem>> -> memref<512xi32, #tpu.memory_space<vmem>>
      %dma_start3A_93 = arith.constant 0 : i32
      %dma_start3A_94 = arith.constant 0 : i32
      %dma_start3A_95 = tpu.memref_slice %arg5[%dma_start3A_93, %dma_start3A_94] : memref<100000x32xf32, #tpu.memory_space<hbm>> -> memref<100000x32xf32, #tpu.memory_space<hbm>>
      tpu.enqueue_indirect_dma source(%dma_start3A_95 : memref<100000x32xf32, #tpu.memory_space<hbm>>) target(%arg14 : memref<512x32xf32, #tpu.memory_space<vmem>>) offsets(%dma_start3A_92 : memref<512xi32, #tpu.memory_space<vmem>>) semaphore(%arg18 : memref<!tpu.dma_semaphore, #tpu.memory_space<semaphore_mem>>) {add = true}
      %dma_wait3A_96 = arith.constant 0 : i32
      %dma_wait3A_97 = arith.constant 0 : i32
      %dma_wait3A_98 = tpu.memref_slice %arg11[%dma_wait3A_96, %dma_wait3A_97] : memref<20x512xi32, #tpu.memory_space<vmem>> -> memref<1x512xi32, #tpu.memory_space<vmem>>
      %dma_wait3A_99 = tpu.memref_squeeze %dma_wait3A_98 : memref<1x512xi32, #tpu.memory_space<vmem>> -> memref<512xi32, #tpu.memory_space<vmem>>
      %dma_wait3A_100 = arith.constant 0 : i32
      %dma_wait3A_101 = arith.constant 0 : i32
      %dma_wait3A_102 = tpu.memref_slice %arg5[%dma_wait3A_100, %dma_wait3A_101] : memref<100000x32xf32, #tpu.memory_space<hbm>> -> memref<100000x32xf32, #tpu.memory_space<hbm>>
      tpu.wait_indirect_dma semaphore(%arg19 : memref<!tpu.dma_semaphore, #tpu.memory_space<semaphore_mem>>) src(%dma_wait3A_102 : memref<100000x32xf32, #tpu.memory_space<hbm>>) dst(%arg15 : memref<512x32xf32, #tpu.memory_space<vmem>>)
      %mul3A_103 = arith.constant 2 : i32
      %mul3A_104 = arith.muli %mul3A_103, %scan3A_80 : i32
      %add3A_105 = arith.constant 1 : i32
      %add3A_106 = arith.addi %mul3A_104, %add3A_105 : i32
      %dma_start3A_107 = arith.constant 0 : i32
      %dma_start3A_108 = tpu.memref_slice %arg11[%add3A_106, %dma_start3A_107] : memref<20x512xi32, #tpu.memory_space<vmem>> -> memref<1x512xi32, #tpu.memory_space<vmem>>
      %dma_start3A_109 = tpu.memref_squeeze %dma_start3A_108 : memref<1x512xi32, #tpu.memory_space<vmem>> -> memref<512xi32, #tpu.memory_space<vmem>>
      %dma_start3A_110 = arith.constant 0 : i32
      %dma_start3A_111 = arith.constant 0 : i32
      %dma_start3A_112 = tpu.memref_slice %arg5[%dma_start3A_110, %dma_start3A_111] : memref<100000x32xf32, #tpu.memory_space<hbm>> -> memref<100000x32xf32, #tpu.memory_space<hbm>>
      tpu.enqueue_indirect_dma source(%dma_start3A_112 : memref<100000x32xf32, #tpu.memory_space<hbm>>) target(%arg15 : memref<512x32xf32, #tpu.memory_space<vmem>>) offsets(%dma_start3A_109 : memref<512xi32, #tpu.memory_space<vmem>>) semaphore(%arg19 : memref<!tpu.dma_semaphore, #tpu.memory_space<semaphore_mem>>) {add = true}
      %dma_wait3A_113 = arith.constant 0 : i32
      %dma_wait3A_114 = arith.constant 0 : i32
      %dma_wait3A_115 = tpu.memref_slice %arg12[%dma_wait3A_113, %dma_wait3A_114] : memref<4x512xi32, #tpu.memory_space<vmem>> -> memref<1x512xi32, #tpu.memory_space<vmem>>
      %dma_wait3A_116 = tpu.memref_squeeze %dma_wait3A_115 : memref<1x512xi32, #tpu.memory_space<vmem>> -> memref<512xi32, #tpu.memory_space<vmem>>
      %dma_wait3A_117 = arith.constant 0 : i32
      %dma_wait3A_118 = arith.constant 0 : i32
      %dma_wait3A_119 = tpu.memref_slice %arg6[%dma_wait3A_117, %dma_wait3A_118] : memref<1000x32xf32, #tpu.memory_space<hbm>> -> memref<1000x32xf32, #tpu.memory_space<hbm>>
      tpu.wait_indirect_dma semaphore(%arg20 : memref<!tpu.dma_semaphore, #tpu.memory_space<semaphore_mem>>) src(%dma_wait3A_119 : memref<1000x32xf32, #tpu.memory_space<hbm>>) dst(%arg16 : memref<512x32xf32, #tpu.memory_space<vmem>>)
      %dma_start3A_120 = arith.constant 0 : i32
      %dma_start3A_121 = tpu.memref_slice %arg12[%scan3A_80, %dma_start3A_120] : memref<4x512xi32, #tpu.memory_space<vmem>> -> memref<1x512xi32, #tpu.memory_space<vmem>>
      %dma_start3A_122 = tpu.memref_squeeze %dma_start3A_121 : memref<1x512xi32, #tpu.memory_space<vmem>> -> memref<512xi32, #tpu.memory_space<vmem>>
      %dma_start3A_123 = arith.constant 0 : i32
      %dma_start3A_124 = arith.constant 0 : i32
      %dma_start3A_125 = tpu.memref_slice %arg6[%dma_start3A_123, %dma_start3A_124] : memref<1000x32xf32, #tpu.memory_space<hbm>> -> memref<1000x32xf32, #tpu.memory_space<hbm>>
      tpu.enqueue_indirect_dma source(%dma_start3A_125 : memref<1000x32xf32, #tpu.memory_space<hbm>>) target(%arg16 : memref<512x32xf32, #tpu.memory_space<vmem>>) offsets(%dma_start3A_122 : memref<512xi32, #tpu.memory_space<vmem>>) semaphore(%arg20 : memref<!tpu.dma_semaphore, #tpu.memory_space<semaphore_mem>>) {add = true}
      %dma_wait3A_126 = arith.constant 0 : i32
      %dma_wait3A_127 = arith.constant 0 : i32
      %dma_wait3A_128 = tpu.memref_slice %arg13[%dma_wait3A_126, %dma_wait3A_127] : memref<8x512xi32, #tpu.memory_space<vmem>> -> memref<1x512xi32, #tpu.memory_space<vmem>>
      %dma_wait3A_129 = tpu.memref_squeeze %dma_wait3A_128 : memref<1x512xi32, #tpu.memory_space<vmem>> -> memref<512xi32, #tpu.memory_space<vmem>>
      %dma_wait3A_130 = arith.constant 0 : i32
      %dma_wait3A_131 = arith.constant 0 : i32
      %dma_wait3A_132 = tpu.memref_slice %arg7[%dma_wait3A_130, %dma_wait3A_131] : memref<1000x32xf32, #tpu.memory_space<hbm>> -> memref<1000x32xf32, #tpu.memory_space<hbm>>
      tpu.wait_indirect_dma semaphore(%arg21 : memref<!tpu.dma_semaphore, #tpu.memory_space<semaphore_mem>>) src(%dma_wait3A_132 : memref<1000x32xf32, #tpu.memory_space<hbm>>) dst(%arg17 : memref<512x32xf32, #tpu.memory_space<vmem>>)
      %dma_start3A_133 = arith.constant 0 : i32
      %dma_start3A_134 = tpu.memref_slice %arg13[%scan3A_80, %dma_start3A_133] : memref<8x512xi32, #tpu.memory_space<vmem>> -> memref<1x512xi32, #tpu.memory_space<vmem>>
      %dma_start3A_135 = tpu.memref_squeeze %dma_start3A_134 : memref<1x512xi32, #tpu.memory_space<vmem>> -> memref<512xi32, #tpu.memory_space<vmem>>
      %dma_start3A_136 = arith.constant 0 : i32
      %dma_start3A_137 = arith.constant 0 : i32
      %dma_start3A_138 = tpu.memref_slice %arg7[%dma_start3A_136, %dma_start3A_137] : memref<1000x32xf32, #tpu.memory_space<hbm>> -> memref<1000x32xf32, #tpu.memory_space<hbm>>
      tpu.enqueue_indirect_dma source(%dma_start3A_138 : memref<1000x32xf32, #tpu.memory_space<hbm>>) target(%arg17 : memref<512x32xf32, #tpu.memory_space<vmem>>) offsets(%dma_start3A_135 : memref<512xi32, #tpu.memory_space<vmem>>) semaphore(%arg21 : memref<!tpu.dma_semaphore, #tpu.memory_space<semaphore_mem>>) {add = true}
    }
    %scan3A_34 = arith.constant 3 : i32
    %scan3A_35 = arith.constant 0 : i32
    %scan3A_36 = arith.constant 4 : i32
    %scan3A_37 = arith.constant 4 : i32
    %scan3A_38 = arith.addi %scan3A_36, %scan3A_37 : i32
    %scan3A_39 = arith.constant 1 : i32
    scf.for %scan3A_80 = %scan3A_36 to %scan3A_38 step %scan3A_39  : i32 {
      %dma_wait3A_81 = arith.constant 0 : i32
      %dma_wait3A_82 = arith.constant 0 : i32
      %dma_wait3A_83 = tpu.memref_slice %arg11[%dma_wait3A_81, %dma_wait3A_82] : memref<20x512xi32, #tpu.memory_space<vmem>> -> memref<1x512xi32, #tpu.memory_space<vmem>>
      %dma_wait3A_84 = tpu.memref_squeeze %dma_wait3A_83 : memref<1x512xi32, #tpu.memory_space<vmem>> -> memref<512xi32, #tpu.memory_space<vmem>>
      %dma_wait3A_85 = arith.constant 0 : i32
      %dma_wait3A_86 = arith.constant 0 : i32
      %dma_wait3A_87 = tpu.memref_slice %arg5[%dma_wait3A_85, %dma_wait3A_86] : memref<100000x32xf32, #tpu.memory_space<hbm>> -> memref<100000x32xf32, #tpu.memory_space<hbm>>
      tpu.wait_indirect_dma semaphore(%arg18 : memref<!tpu.dma_semaphore, #tpu.memory_space<semaphore_mem>>) src(%dma_wait3A_87 : memref<100000x32xf32, #tpu.memory_space<hbm>>) dst(%arg14 : memref<512x32xf32, #tpu.memory_space<vmem>>)
      %mul3A_88 = arith.constant 2 : i32
      %mul3A_89 = arith.muli %mul3A_88, %scan3A_80 : i32
      %dma_start3A_90 = arith.constant 0 : i32
      %dma_start3A_91 = tpu.memref_slice %arg11[%mul3A_89, %dma_start3A_90] : memref<20x512xi32, #tpu.memory_space<vmem>> -> memref<1x512xi32, #tpu.memory_space<vmem>>
      %dma_start3A_92 = tpu.memref_squeeze %dma_start3A_91 : memref<1x512xi32, #tpu.memory_space<vmem>> -> memref<512xi32, #tpu.memory_space<vmem>>
      %dma_start3A_93 = arith.constant 0 : i32
      %dma_start3A_94 = arith.constant 0 : i32
      %dma_start3A_95 = tpu.memref_slice %arg5[%dma_start3A_93, %dma_start3A_94] : memref<100000x32xf32, #tpu.memory_space<hbm>> -> memref<100000x32xf32, #tpu.memory_space<hbm>>
      tpu.enqueue_indirect_dma source(%dma_start3A_95 : memref<100000x32xf32, #tpu.memory_space<hbm>>) target(%arg14 : memref<512x32xf32, #tpu.memory_space<vmem>>) offsets(%dma_start3A_92 : memref<512xi32, #tpu.memory_space<vmem>>) semaphore(%arg18 : memref<!tpu.dma_semaphore, #tpu.memory_space<semaphore_mem>>) {add = true}
      %dma_wait3A_96 = arith.constant 0 : i32
      %dma_wait3A_97 = arith.constant 0 : i32
      %dma_wait3A_98 = tpu.memref_slice %arg11[%dma_wait3A_96, %dma_wait3A_97] : memref<20x512xi32, #tpu.memory_space<vmem>> -> memref<1x512xi32, #tpu.memory_space<vmem>>
      %dma_wait3A_99 = tpu.memref_squeeze %dma_wait3A_98 : memref<1x512xi32, #tpu.memory_space<vmem>> -> memref<512xi32, #tpu.memory_space<vmem>>
      %dma_wait3A_100 = arith.constant 0 : i32
      %dma_wait3A_101 = arith.constant 0 : i32
      %dma_wait3A_102 = tpu.memref_slice %arg5[%dma_wait3A_100, %dma_wait3A_101] : memref<100000x32xf32, #tpu.memory_space<hbm>> -> memref<100000x32xf32, #tpu.memory_space<hbm>>
      tpu.wait_indirect_dma semaphore(%arg19 : memref<!tpu.dma_semaphore, #tpu.memory_space<semaphore_mem>>) src(%dma_wait3A_102 : memref<100000x32xf32, #tpu.memory_space<hbm>>) dst(%arg15 : memref<512x32xf32, #tpu.memory_space<vmem>>)
      %mul3A_103 = arith.constant 2 : i32
      %mul3A_104 = arith.muli %mul3A_103, %scan3A_80 : i32
      %add3A_105 = arith.constant 1 : i32
      %add3A_106 = arith.addi %mul3A_104, %add3A_105 : i32
      %dma_start3A_107 = arith.constant 0 : i32
      %dma_start3A_108 = tpu.memref_slice %arg11[%add3A_106, %dma_start3A_107] : memref<20x512xi32, #tpu.memory_space<vmem>> -> memref<1x512xi32, #tpu.memory_space<vmem>>
      %dma_start3A_109 = tpu.memref_squeeze %dma_start3A_108 : memref<1x512xi32, #tpu.memory_space<vmem>> -> memref<512xi32, #tpu.memory_space<vmem>>
      %dma_start3A_110 = arith.constant 0 : i32
      %dma_start3A_111 = arith.constant 0 : i32
      %dma_start3A_112 = tpu.memref_slice %arg5[%dma_start3A_110, %dma_start3A_111] : memref<100000x32xf32, #tpu.memory_space<hbm>> -> memref<100000x32xf32, #tpu.memory_space<hbm>>
      tpu.enqueue_indirect_dma source(%dma_start3A_112 : memref<100000x32xf32, #tpu.memory_space<hbm>>) target(%arg15 : memref<512x32xf32, #tpu.memory_space<vmem>>) offsets(%dma_start3A_109 : memref<512xi32, #tpu.memory_space<vmem>>) semaphore(%arg19 : memref<!tpu.dma_semaphore, #tpu.memory_space<semaphore_mem>>) {add = true}
      %dma_wait3A_113 = arith.constant 0 : i32
      %dma_wait3A_114 = arith.constant 0 : i32
      %dma_wait3A_115 = tpu.memref_slice %arg13[%dma_wait3A_113, %dma_wait3A_114] : memref<8x512xi32, #tpu.memory_space<vmem>> -> memref<1x512xi32, #tpu.memory_space<vmem>>
      %dma_wait3A_116 = tpu.memref_squeeze %dma_wait3A_115 : memref<1x512xi32, #tpu.memory_space<vmem>> -> memref<512xi32, #tpu.memory_space<vmem>>
      %dma_wait3A_117 = arith.constant 0 : i32
      %dma_wait3A_118 = arith.constant 0 : i32
      %dma_wait3A_119 = tpu.memref_slice %arg7[%dma_wait3A_117, %dma_wait3A_118] : memref<1000x32xf32, #tpu.memory_space<hbm>> -> memref<1000x32xf32, #tpu.memory_space<hbm>>
      tpu.wait_indirect_dma semaphore(%arg21 : memref<!tpu.dma_semaphore, #tpu.memory_space<semaphore_mem>>) src(%dma_wait3A_119 : memref<1000x32xf32, #tpu.memory_space<hbm>>) dst(%arg17 : memref<512x32xf32, #tpu.memory_space<vmem>>)
      %dma_start3A_120 = arith.constant 0 : i32
      %dma_start3A_121 = tpu.memref_slice %arg13[%scan3A_80, %dma_start3A_120] : memref<8x512xi32, #tpu.memory_space<vmem>> -> memref<1x512xi32, #tpu.memory_space<vmem>>
      %dma_start3A_122 = tpu.memref_squeeze %dma_start3A_121 : memref<1x512xi32, #tpu.memory_space<vmem>> -> memref<512xi32, #tpu.memory_space<vmem>>
      %dma_start3A_123 = arith.constant 0 : i32
      %dma_start3A_124 = arith.constant 0 : i32
      %dma_start3A_125 = tpu.memref_slice %arg7[%dma_start3A_123, %dma_start3A_124] : memref<1000x32xf32, #tpu.memory_space<hbm>> -> memref<1000x32xf32, #tpu.memory_space<hbm>>
      tpu.enqueue_indirect_dma source(%dma_start3A_125 : memref<1000x32xf32, #tpu.memory_space<hbm>>) target(%arg17 : memref<512x32xf32, #tpu.memory_space<vmem>>) offsets(%dma_start3A_122 : memref<512xi32, #tpu.memory_space<vmem>>) semaphore(%arg21 : memref<!tpu.dma_semaphore, #tpu.memory_space<semaphore_mem>>) {add = true}
    }
    %scan3A_40 = arith.constant 4 : i32
    %scan3A_41 = arith.constant 0 : i32
    %scan3A_42 = arith.constant 8 : i32
    %scan3A_43 = arith.constant 2 : i32
    %scan3A_44 = arith.addi %scan3A_42, %scan3A_43 : i32
    %scan3A_45 = arith.constant 1 : i32
    scf.for %scan3A_80 = %scan3A_42 to %scan3A_44 step %scan3A_45  : i32 {
      %dma_wait3A_81 = arith.constant 0 : i32
      %dma_wait3A_82 = arith.constant 0 : i32
      %dma_wait3A_83 = tpu.memref_slice %arg11[%dma_wait3A_81, %dma_wait3A_82] : memref<20x512xi32, #tpu.memory_space<vmem>> -> memref<1x512xi32, #tpu.memory_space<vmem>>
      %dma_wait3A_84 = tpu.memref_squeeze %dma_wait3A_83 : memref<1x512xi32, #tpu.memory_space<vmem>> -> memref<512xi32, #tpu.memory_space<vmem>>
      %dma_wait3A_85 = arith.constant 0 : i32
      %dma_wait3A_86 = arith.constant 0 : i32
      %dma_wait3A_87 = tpu.memref_slice %arg5[%dma_wait3A_85, %dma_wait3A_86] : memref<100000x32xf32, #tpu.memory_space<hbm>> -> memref<100000x32xf32, #tpu.memory_space<hbm>>
      tpu.wait_indirect_dma semaphore(%arg18 : memref<!tpu.dma_semaphore, #tpu.memory_space<semaphore_mem>>) src(%dma_wait3A_87 : memref<100000x32xf32, #tpu.memory_space<hbm>>) dst(%arg14 : memref<512x32xf32, #tpu.memory_space<vmem>>)
      %mul3A_88 = arith.constant 2 : i32
      %mul3A_89 = arith.muli %mul3A_88, %scan3A_80 : i32
      %dma_start3A_90 = arith.constant 0 : i32
      %dma_start3A_91 = tpu.memref_slice %arg11[%mul3A_89, %dma_start3A_90] : memref<20x512xi32, #tpu.memory_space<vmem>> -> memref<1x512xi32, #tpu.memory_space<vmem>>
      %dma_start3A_92 = tpu.memref_squeeze %dma_start3A_91 : memref<1x512xi32, #tpu.memory_space<vmem>> -> memref<512xi32, #tpu.memory_space<vmem>>
      %dma_start3A_93 = arith.constant 0 : i32
      %dma_start3A_94 = arith.constant 0 : i32
      %dma_start3A_95 = tpu.memref_slice %arg5[%dma_start3A_93, %dma_start3A_94] : memref<100000x32xf32, #tpu.memory_space<hbm>> -> memref<100000x32xf32, #tpu.memory_space<hbm>>
      tpu.enqueue_indirect_dma source(%dma_start3A_95 : memref<100000x32xf32, #tpu.memory_space<hbm>>) target(%arg14 : memref<512x32xf32, #tpu.memory_space<vmem>>) offsets(%dma_start3A_92 : memref<512xi32, #tpu.memory_space<vmem>>) semaphore(%arg18 : memref<!tpu.dma_semaphore, #tpu.memory_space<semaphore_mem>>) {add = true}
      %dma_wait3A_96 = arith.constant 0 : i32
      %dma_wait3A_97 = arith.constant 0 : i32
      %dma_wait3A_98 = tpu.memref_slice %arg11[%dma_wait3A_96, %dma_wait3A_97] : memref<20x512xi32, #tpu.memory_space<vmem>> -> memref<1x512xi32, #tpu.memory_space<vmem>>
      %dma_wait3A_99 = tpu.memref_squeeze %dma_wait3A_98 : memref<1x512xi32, #tpu.memory_space<vmem>> -> memref<512xi32, #tpu.memory_space<vmem>>
      %dma_wait3A_100 = arith.constant 0 : i32
      %dma_wait3A_101 = arith.constant 0 : i32
      %dma_wait3A_102 = tpu.memref_slice %arg5[%dma_wait3A_100, %dma_wait3A_101] : memref<100000x32xf32, #tpu.memory_space<hbm>> -> memref<100000x32xf32, #tpu.memory_space<hbm>>
      tpu.wait_indirect_dma semaphore(%arg19 : memref<!tpu.dma_semaphore, #tpu.memory_space<semaphore_mem>>) src(%dma_wait3A_102 : memref<100000x32xf32, #tpu.memory_space<hbm>>) dst(%arg15 : memref<512x32xf32, #tpu.memory_space<vmem>>)
      %mul3A_103 = arith.constant 2 : i32
      %mul3A_104 = arith.muli %mul3A_103, %scan3A_80 : i32
      %add3A_105 = arith.constant 1 : i32
      %add3A_106 = arith.addi %mul3A_104, %add3A_105 : i32
      %dma_start3A_107 = arith.constant 0 : i32
      %dma_start3A_108 = tpu.memref_slice %arg11[%add3A_106, %dma_start3A_107] : memref<20x512xi32, #tpu.memory_space<vmem>> -> memref<1x512xi32, #tpu.memory_space<vmem>>
      %dma_start3A_109 = tpu.memref_squeeze %dma_start3A_108 : memref<1x512xi32, #tpu.memory_space<vmem>> -> memref<512xi32, #tpu.memory_space<vmem>>
      %dma_start3A_110 = arith.constant 0 : i32
      %dma_start3A_111 = arith.constant 0 : i32
      %dma_start3A_112 = tpu.memref_slice %arg5[%dma_start3A_110, %dma_start3A_111] : memref<100000x32xf32, #tpu.memory_space<hbm>> -> memref<100000x32xf32, #tpu.memory_space<hbm>>
      tpu.enqueue_indirect_dma source(%dma_start3A_112 : memref<100000x32xf32, #tpu.memory_space<hbm>>) target(%arg15 : memref<512x32xf32, #tpu.memory_space<vmem>>) offsets(%dma_start3A_109 : memref<512xi32, #tpu.memory_space<vmem>>) semaphore(%arg19 : memref<!tpu.dma_semaphore, #tpu.memory_space<semaphore_mem>>) {add = true}
    }
    %scan3A_46 = arith.constant 2 : i32
    %dma_wait3A = arith.constant 0 : i32
    %dma_wait3A_47 = arith.constant 0 : i32
    %dma_wait3A_48 = tpu.memref_slice %arg12[%dma_wait3A, %dma_wait3A_47] : memref<4x512xi32, #tpu.memory_space<vmem>> -> memref<1x512xi32, #tpu.memory_space<vmem>>
    %dma_wait3A_49 = tpu.memref_squeeze %dma_wait3A_48 : memref<1x512xi32, #tpu.memory_space<vmem>> -> memref<512xi32, #tpu.memory_space<vmem>>
    %dma_wait3A_50 = arith.constant 0 : i32
    %dma_wait3A_51 = arith.constant 0 : i32
    %dma_wait3A_52 = tpu.memref_slice %arg6[%dma_wait3A_50, %dma_wait3A_51] : memref<1000x32xf32, #tpu.memory_space<hbm>> -> memref<1000x32xf32, #tpu.memory_space<hbm>>
    tpu.wait_indirect_dma semaphore(%arg20 : memref<!tpu.dma_semaphore, #tpu.memory_space<semaphore_mem>>) src(%dma_wait3A_52 : memref<1000x32xf32, #tpu.memory_space<hbm>>) dst(%arg16 : memref<512x32xf32, #tpu.memory_space<vmem>>)
    "tpu.region"() ({
      %run_scoped3A = tpu.sem_alloc : memref<!tpu.dma_semaphore, #tpu.memory_space<semaphore_mem>>
      %dma_start3A_80 = arith.constant 0 : i32
      %dma_start3A_81 = tpu.memref_slice %arg9[%mul3A_2, %dma_start3A_80] : memref<16384x32xf32, #tpu.memory_space<hbm>> -> memref<512x32xf32, #tpu.memory_space<hbm>>
      %dma_start3A_82 = arith.constant 0 : i32
      %dma_start3A_83 = tpu.memref_slice %arg9[%mul3A_2, %dma_start3A_82] : memref<16384x32xf32, #tpu.memory_space<hbm>> -> memref<512x32xf32, #tpu.memory_space<hbm>>
      tpu.enqueue_dma source(%arg16 : memref<512x32xf32, #tpu.memory_space<vmem>>) target(%dma_start3A_83 : memref<512x32xf32, #tpu.memory_space<hbm>>) target_semaphore(%run_scoped3A : memref<!tpu.dma_semaphore, #tpu.memory_space<semaphore_mem>>)
      %dma_wait3A_84 = arith.constant 0 : i32
      %dma_wait3A_85 = tpu.memref_slice %arg9[%mul3A_2, %dma_wait3A_84] : memref<16384x32xf32, #tpu.memory_space<hbm>> -> memref<512x32xf32, #tpu.memory_space<hbm>>
      %dma_wait3A_86 = arith.constant 0 : i32
      %dma_wait3A_87 = tpu.memref_slice %arg9[%mul3A_2, %dma_wait3A_86] : memref<16384x32xf32, #tpu.memory_space<hbm>> -> memref<512x32xf32, #tpu.memory_space<hbm>>
      tpu.wait_dma2 semaphore(%run_scoped3A : memref<!tpu.dma_semaphore, #tpu.memory_space<semaphore_mem>>) src(%arg16 : memref<512x32xf32, #tpu.memory_space<vmem>>) dst(%dma_wait3A_87 : memref<512x32xf32, #tpu.memory_space<hbm>>)
      tpu.yield
    }) : () -> ()
    %dma_wait3A_53 = arith.constant 0 : i32
    %dma_wait3A_54 = arith.constant 0 : i32
    %dma_wait3A_55 = tpu.memref_slice %arg13[%dma_wait3A_53, %dma_wait3A_54] : memref<8x512xi32, #tpu.memory_space<vmem>> -> memref<1x512xi32, #tpu.memory_space<vmem>>
    %dma_wait3A_56 = tpu.memref_squeeze %dma_wait3A_55 : memref<1x512xi32, #tpu.memory_space<vmem>> -> memref<512xi32, #tpu.memory_space<vmem>>
    %dma_wait3A_57 = arith.constant 0 : i32
    %dma_wait3A_58 = arith.constant 0 : i32
    %dma_wait3A_59 = tpu.memref_slice %arg7[%dma_wait3A_57, %dma_wait3A_58] : memref<1000x32xf32, #tpu.memory_space<hbm>> -> memref<1000x32xf32, #tpu.memory_space<hbm>>
    tpu.wait_indirect_dma semaphore(%arg21 : memref<!tpu.dma_semaphore, #tpu.memory_space<semaphore_mem>>) src(%dma_wait3A_59 : memref<1000x32xf32, #tpu.memory_space<hbm>>) dst(%arg17 : memref<512x32xf32, #tpu.memory_space<vmem>>)
    "tpu.region"() ({
      %run_scoped3A = tpu.sem_alloc : memref<!tpu.dma_semaphore, #tpu.memory_space<semaphore_mem>>
      %dma_start3A_80 = arith.constant 0 : i32
      %dma_start3A_81 = tpu.memref_slice %arg10[%mul3A_2, %dma_start3A_80] : memref<16384x32xf32, #tpu.memory_space<hbm>> -> memref<512x32xf32, #tpu.memory_space<hbm>>
      %dma_start3A_82 = arith.constant 0 : i32
      %dma_start3A_83 = tpu.memref_slice %arg10[%mul3A_2, %dma_start3A_82] : memref<16384x32xf32, #tpu.memory_space<hbm>> -> memref<512x32xf32, #tpu.memory_space<hbm>>
      tpu.enqueue_dma source(%arg17 : memref<512x32xf32, #tpu.memory_space<vmem>>) target(%dma_start3A_83 : memref<512x32xf32, #tpu.memory_space<hbm>>) target_semaphore(%run_scoped3A : memref<!tpu.dma_semaphore, #tpu.memory_space<semaphore_mem>>)
      %dma_wait3A_84 = arith.constant 0 : i32
      %dma_wait3A_85 = tpu.memref_slice %arg10[%mul3A_2, %dma_wait3A_84] : memref<16384x32xf32, #tpu.memory_space<hbm>> -> memref<512x32xf32, #tpu.memory_space<hbm>>
      %dma_wait3A_86 = arith.constant 0 : i32
      %dma_wait3A_87 = tpu.memref_slice %arg10[%mul3A_2, %dma_wait3A_86] : memref<16384x32xf32, #tpu.memory_space<hbm>> -> memref<512x32xf32, #tpu.memory_space<hbm>>
      tpu.wait_dma2 semaphore(%run_scoped3A : memref<!tpu.dma_semaphore, #tpu.memory_space<semaphore_mem>>) src(%arg17 : memref<512x32xf32, #tpu.memory_space<vmem>>) dst(%dma_wait3A_87 : memref<512x32xf32, #tpu.memory_space<hbm>>)
      tpu.yield
    }) : () -> ()
    %dma_wait3A_60 = arith.constant 0 : i32
    %dma_wait3A_61 = arith.constant 0 : i32
    %dma_wait3A_62 = tpu.memref_slice %arg11[%dma_wait3A_60, %dma_wait3A_61] : memref<20x512xi32, #tpu.memory_space<vmem>> -> memref<1x512xi32, #tpu.memory_space<vmem>>
    %dma_wait3A_63 = tpu.memref_squeeze %dma_wait3A_62 : memref<1x512xi32, #tpu.memory_space<vmem>> -> memref<512xi32, #tpu.memory_space<vmem>>
    %dma_wait3A_64 = arith.constant 0 : i32
    %dma_wait3A_65 = arith.constant 0 : i32
    %dma_wait3A_66 = tpu.memref_slice %arg5[%dma_wait3A_64, %dma_wait3A_65] : memref<100000x32xf32, #tpu.memory_space<hbm>> -> memref<100000x32xf32, #tpu.memory_space<hbm>>
    tpu.wait_indirect_dma semaphore(%arg18 : memref<!tpu.dma_semaphore, #tpu.memory_space<semaphore_mem>>) src(%dma_wait3A_66 : memref<100000x32xf32, #tpu.memory_space<hbm>>) dst(%arg14 : memref<512x32xf32, #tpu.memory_space<vmem>>)
    %dma_wait3A_67 = arith.constant 0 : i32
    %dma_wait3A_68 = arith.constant 0 : i32
    %dma_wait3A_69 = tpu.memref_slice %arg11[%dma_wait3A_67, %dma_wait3A_68] : memref<20x512xi32, #tpu.memory_space<vmem>> -> memref<1x512xi32, #tpu.memory_space<vmem>>
    %dma_wait3A_70 = tpu.memref_squeeze %dma_wait3A_69 : memref<1x512xi32, #tpu.memory_space<vmem>> -> memref<512xi32, #tpu.memory_space<vmem>>
    %dma_wait3A_71 = arith.constant 0 : i32
    %dma_wait3A_72 = arith.constant 0 : i32
    %dma_wait3A_73 = tpu.memref_slice %arg5[%dma_wait3A_71, %dma_wait3A_72] : memref<100000x32xf32, #tpu.memory_space<hbm>> -> memref<100000x32xf32, #tpu.memory_space<hbm>>
    tpu.wait_indirect_dma semaphore(%arg19 : memref<!tpu.dma_semaphore, #tpu.memory_space<semaphore_mem>>) src(%dma_wait3A_73 : memref<100000x32xf32, #tpu.memory_space<hbm>>) dst(%arg15 : memref<512x32xf32, #tpu.memory_space<vmem>>)
    %scan3A_74 = arith.constant 0 : i32
    %scan3A_75 = arith.constant 0 : i32
    %scan3A_76 = arith.constant 1024 : i32
    %scan3A_77 = arith.addi %scan3A_75, %scan3A_76 : i32
    %scan3A_78 = arith.constant 1 : i32
    scf.for %scan3A_80 = %scan3A_75 to %scan3A_77 step %scan3A_78  : i32 {
      %shift_right_arithmetic3A = arith.constant 1 : i32
      %shift_right_arithmetic3A_81 = arith.shrsi %scan3A_80, %shift_right_arithmetic3A : i32
      %and3A = arith.constant 1 : i32
      %and3A_82 = arith.andi %scan3A_80, %and3A : i32
      %mul3A_83 = arith.constant 16 : i32
      %mul3A_84 = arith.muli %and3A_82, %mul3A_83 : i32
      %get3A = arith.index_cast %shift_right_arithmetic3A_81 : i32 to index
      %get3A_85 = arith.index_cast %mul3A_84 : i32 to index
      %get3A_86 = tpu.vector_load %arg14[%get3A, %get3A_85] {strides = array<i32>} : memref<512x32xf32, #tpu.memory_space<vmem>>, vector<1x16xf32>,
      %get3A_87 = vector.shape_cast %get3A_86 : vector<1x16xf32> to vector<16xf32>
      %get3A_88 = arith.index_cast %shift_right_arithmetic3A_81 : i32 to index
      %get3A_89 = arith.index_cast %mul3A_84 : i32 to index
      %get3A_90 = tpu.vector_load %arg15[%get3A_88, %get3A_89] {strides = array<i32>} : memref<512x32xf32, #tpu.memory_space<vmem>>, vector<1x16xf32>,
      %get3A_91 = vector.shape_cast %get3A_90 : vector<1x16xf32> to vector<16xf32>
      %add3A_92 = arith.addf %get3A_87, %get3A_91 : vector<16xf32>
      %swap3A = arith.index_cast %shift_right_arithmetic3A_81 : i32 to index
      %swap3A_93 = arith.index_cast %mul3A_84 : i32 to index
      %swap3A_94 = tpu.vector_load %arg14[%swap3A, %swap3A_93] {strides = array<i32>} : memref<512x32xf32, #tpu.memory_space<vmem>>, vector<1x16xf32>,
      %swap3A_95 = vector.shape_cast %swap3A_94 : vector<1x16xf32> to vector<16xf32>
      %swap3A_96 = vector.shape_cast %add3A_92 : vector<16xf32> to vector<1x16xf32>
      tpu.vector_store %arg14[%swap3A, %swap3A_93], %swap3A_96 {strides = array<i32>} : memref<512x32xf32, #tpu.memory_space<vmem>>, vector<1x16xf32>,
    }
    %scan3A_79 = arith.constant 1024 : i32
    "tpu.region"() ({
      %run_scoped3A = tpu.sem_alloc : memref<!tpu.dma_semaphore, #tpu.memory_space<semaphore_mem>>
      %dma_start3A_80 = arith.constant 0 : i32
      %dma_start3A_81 = tpu.memref_slice %arg8[%mul3A_2, %dma_start3A_80] : memref<16384x32xf32, #tpu.memory_space<hbm>> -> memref<512x32xf32, #tpu.memory_space<hbm>>
      %dma_start3A_82 = arith.constant 0 : i32
      %dma_start3A_83 = tpu.memref_slice %arg8[%mul3A_2, %dma_start3A_82] : memref<16384x32xf32, #tpu.memory_space<hbm>> -> memref<512x32xf32, #tpu.memory_space<hbm>>
      tpu.enqueue_dma source(%arg14 : memref<512x32xf32, #tpu.memory_space<vmem>>) target(%dma_start3A_83 : memref<512x32xf32, #tpu.memory_space<hbm>>) target_semaphore(%run_scoped3A : memref<!tpu.dma_semaphore, #tpu.memory_space<semaphore_mem>>)
      %dma_wait3A_84 = arith.constant 0 : i32
      %dma_wait3A_85 = tpu.memref_slice %arg8[%mul3A_2, %dma_wait3A_84] : memref<16384x32xf32, #tpu.memory_space<hbm>> -> memref<512x32xf32, #tpu.memory_space<hbm>>
      %dma_wait3A_86 = arith.constant 0 : i32
      %dma_wait3A_87 = tpu.memref_slice %arg8[%mul3A_2, %dma_wait3A_86] : memref<16384x32xf32, #tpu.memory_space<hbm>> -> memref<512x32xf32, #tpu.memory_space<hbm>>
      tpu.wait_dma2 semaphore(%run_scoped3A : memref<!tpu.dma_semaphore, #tpu.memory_space<semaphore_mem>>) src(%arg14 : memref<512x32xf32, #tpu.memory_space<vmem>>) dst(%dma_wait3A_87 : memref<512x32xf32, #tpu.memory_space<hbm>>)
      tpu.yield
    }) : () -> ()
    return
  }
}

#map = affine_map<(d0, d1) -> (0)>
#map1 = affine_map<(d0, d1) -> (0, 0)>
module attributes {stable_mosaic.version = 14 : i64} {
  func.func @_sc_scalar_body(%arg0: i32, %arg1: i32, %arg2: memref<16384xi32, #tpu.memory_space<hbm>>, %arg3: memref<16384xi32, #tpu.memory_space<hbm>>, %arg4: memref<33554432xf32, #tpu.memory_space<hbm>>, %arg5: memref<4194304xf32, #tpu.memory_space<hbm>>, %arg6: memref<32x16384xf32, #tpu.memory_space<hbm>>, %arg7: memref<32x16384xf32, #tpu.memory_space<hbm>>, %arg8: memref<512xi32, #tpu.memory_space<vmem>>, %arg9: memref<512xi32, #tpu.memory_space<vmem>>, %arg10: memref<32x512xi32, #tpu.memory_space<vmem>>, %arg11: memref<32x512xi32, #tpu.memory_space<vmem>>, %arg12: memref<32x512xf32, #tpu.memory_space<vmem>>, %arg13: memref<32x512xf32, #tpu.memory_space<vmem>>, %arg14: memref<!tpu.dma_semaphore, #tpu.memory_space<semaphore_mem>>) attributes {dimension_semantics = [#tpu.dimension_semantics<core_parallel>, #tpu.dimension_semantics<subcore_parallel>], iteration_bounds = array<i64: 2, 16>, scalar_prefetch = 0 : i64, scratch_operands = 7 : i64, tpu.core_type = #tpu.core_type<sc_vector_subcore>, window_params = [{transform_indices = #map}, {transform_indices = #map}, {transform_indices = #map}, {transform_indices = #map}, {transform_indices = #map1}, {transform_indices = #map1}]} {
    %mul3A = arith.constant 2 : i32
    %mul3A_0 = arith.muli %arg1, %mul3A : i32
    %add3A = arith.addi %mul3A_0, %arg0 : i32
    %mul3A_1 = arith.constant 512 : i32
    %mul3A_2 = arith.muli %add3A, %mul3A_1 : i32
    "tpu.region"() ({
      %run_scoped3A = tpu.sem_alloc : memref<!tpu.dma_semaphore, #tpu.memory_space<semaphore_mem>>
      %dma_start3A = tpu.memref_slice %arg2[%mul3A_2] : memref<16384xi32, #tpu.memory_space<hbm>> -> memref<512xi32, #tpu.memory_space<hbm>>
      %dma_start3A_20 = tpu.memref_slice %arg2[%mul3A_2] : memref<16384xi32, #tpu.memory_space<hbm>> -> memref<512xi32, #tpu.memory_space<hbm>>
      tpu.enqueue_dma source(%dma_start3A_20 : memref<512xi32, #tpu.memory_space<hbm>>) target(%arg8 : memref<512xi32, #tpu.memory_space<vmem>>) target_semaphore(%run_scoped3A : memref<!tpu.dma_semaphore, #tpu.memory_space<semaphore_mem>>)
      %dma_wait3A = tpu.memref_slice %arg2[%mul3A_2] : memref<16384xi32, #tpu.memory_space<hbm>> -> memref<512xi32, #tpu.memory_space<hbm>>
      %dma_wait3A_21 = tpu.memref_slice %arg2[%mul3A_2] : memref<16384xi32, #tpu.memory_space<hbm>> -> memref<512xi32, #tpu.memory_space<hbm>>
      tpu.wait_dma2 semaphore(%run_scoped3A : memref<!tpu.dma_semaphore, #tpu.memory_space<semaphore_mem>>) src(%dma_wait3A_21 : memref<512xi32, #tpu.memory_space<hbm>>) dst(%arg8 : memref<512xi32, #tpu.memory_space<vmem>>)
      tpu.yield
    }) : () -> ()
    "tpu.region"() ({
      %run_scoped3A = tpu.sem_alloc : memref<!tpu.dma_semaphore, #tpu.memory_space<semaphore_mem>>
      %dma_start3A = tpu.memref_slice %arg3[%mul3A_2] : memref<16384xi32, #tpu.memory_space<hbm>> -> memref<512xi32, #tpu.memory_space<hbm>>
      %dma_start3A_20 = tpu.memref_slice %arg3[%mul3A_2] : memref<16384xi32, #tpu.memory_space<hbm>> -> memref<512xi32, #tpu.memory_space<hbm>>
      tpu.enqueue_dma source(%dma_start3A_20 : memref<512xi32, #tpu.memory_space<hbm>>) target(%arg9 : memref<512xi32, #tpu.memory_space<vmem>>) target_semaphore(%run_scoped3A : memref<!tpu.dma_semaphore, #tpu.memory_space<semaphore_mem>>)
      %dma_wait3A = tpu.memref_slice %arg3[%mul3A_2] : memref<16384xi32, #tpu.memory_space<hbm>> -> memref<512xi32, #tpu.memory_space<hbm>>
      %dma_wait3A_21 = tpu.memref_slice %arg3[%mul3A_2] : memref<16384xi32, #tpu.memory_space<hbm>> -> memref<512xi32, #tpu.memory_space<hbm>>
      tpu.wait_dma2 semaphore(%run_scoped3A : memref<!tpu.dma_semaphore, #tpu.memory_space<semaphore_mem>>) src(%dma_wait3A_21 : memref<512xi32, #tpu.memory_space<hbm>>) dst(%arg9 : memref<512xi32, #tpu.memory_space<vmem>>)
      tpu.yield
    }) : () -> ()
    %scan3A = arith.constant 0 : i32
    %scan3A_3 = arith.constant 0 : i32
    %scan3A_4 = arith.constant 32 : i32
    %scan3A_5 = arith.addi %scan3A_3, %scan3A_4 : i32
    %scan3A_6 = arith.constant 1 : i32
    scf.for %scan3A_20 = %scan3A_3 to %scan3A_5 step %scan3A_6  : i32 {
      %scan3A_21 = arith.constant 0 : i32
      %scan3A_22 = arith.constant 0 : i32
      %scan3A_23 = arith.constant 32 : i32
      %scan3A_24 = arith.addi %scan3A_22, %scan3A_23 : i32
      %scan3A_25 = arith.constant 1 : i32
      scf.for %scan3A_27 = %scan3A_22 to %scan3A_24 step %scan3A_25  : i32 {
        %mul3A_28 = arith.constant 16 : i32
        %mul3A_29 = arith.muli %scan3A_27, %mul3A_28 : i32
        %get3A = arith.index_cast %mul3A_29 : i32 to index
        %get3A_30 = tpu.vector_load %arg8[%get3A] {strides = array<i32>} : memref<512xi32, #tpu.memory_space<vmem>>, vector<16xi32>,
        %get3A_31 = vector.shape_cast %get3A_30 : vector<16xi32> to vector<16xi32>
        %shift_right_arithmetic3A = arith.constant 3 : i32
        %shift_right_arithmetic3A_32 = arith.shrsi %scan3A_20, %shift_right_arithmetic3A : i32
        %mul3A_33 = arith.constant 8 : i32
        %mul3A_34 = arith.muli %shift_right_arithmetic3A_32, %mul3A_33 : i32
        %shift_right_arithmetic3A_35 = arith.constant 17 : i32
        %shift_right_arithmetic3A_36 = vector.broadcast %shift_right_arithmetic3A_35 : i32 to vector<16xi32>
        %shift_right_arithmetic3A_37 = arith.shrsi %get3A_31, %shift_right_arithmetic3A_36 : vector<16xi32>
        %add3A_38 = vector.broadcast %mul3A_34 : i32 to vector<16xi32>
        %add3A_39 = arith.addi %add3A_38, %shift_right_arithmetic3A_37 : vector<16xi32>
        %shift_left3A = arith.constant 20 : i32
        %shift_left3A_40 = vector.broadcast %shift_left3A : i32 to vector<16xi32>
        %shift_left3A_41 = arith.shli %add3A_39, %shift_left3A_40 : vector<16xi32>
        %and3A = arith.constant 7 : i32
        %and3A_42 = arith.andi %scan3A_20, %and3A : i32
        %shift_left3A_43 = arith.constant 17 : i32
        %shift_left3A_44 = arith.shli %and3A_42, %shift_left3A_43 : i32
        %add3A_45 = vector.broadcast %shift_left3A_44 : i32 to vector<16xi32>
        %add3A_46 = arith.addi %shift_left3A_41, %add3A_45 : vector<16xi32>
        %and3A_47 = arith.constant 131071 : i32
        %and3A_48 = vector.broadcast %and3A_47 : i32 to vector<16xi32>
        %and3A_49 = arith.andi %get3A_31, %and3A_48 : vector<16xi32>
        %add3A_50 = arith.addi %add3A_46, %and3A_49 : vector<16xi32>
        %swap3A = arith.index_cast %scan3A_20 : i32 to index
        %swap3A_51 = arith.index_cast %mul3A_29 : i32 to index
        %swap3A_52 = tpu.vector_load %arg10[%swap3A, %swap3A_51] {strides = array<i32>} : memref<32x512xi32, #tpu.memory_space<vmem>>, vector<1x16xi32>,
        %swap3A_53 = vector.shape_cast %swap3A_52 : vector<1x16xi32> to vector<16xi32>
        %swap3A_54 = vector.shape_cast %add3A_50 : vector<16xi32> to vector<1x16xi32>
        tpu.vector_store %arg10[%swap3A, %swap3A_51], %swap3A_54 {strides = array<i32>} : memref<32x512xi32, #tpu.memory_space<vmem>>, vector<1x16xi32>,
        %get3A_55 = arith.index_cast %mul3A_29 : i32 to index
        %get3A_56 = tpu.vector_load %arg9[%get3A_55] {strides = array<i32>} : memref<512xi32, #tpu.memory_space<vmem>>, vector<16xi32>,
        %get3A_57 = vector.shape_cast %get3A_56 : vector<16xi32> to vector<16xi32>
        %shift_right_arithmetic3A_58 = arith.constant 3 : i32
        %shift_right_arithmetic3A_59 = arith.shrsi %scan3A_20, %shift_right_arithmetic3A_58 : i32
        %mul3A_60 = arith.constant 1 : i32
        %mul3A_61 = arith.muli %shift_right_arithmetic3A_59, %mul3A_60 : i32
        %shift_right_arithmetic3A_62 = arith.constant 17 : i32
        %shift_right_arithmetic3A_63 = vector.broadcast %shift_right_arithmetic3A_62 : i32 to vector<16xi32>
        %shift_right_arithmetic3A_64 = arith.shrsi %get3A_57, %shift_right_arithmetic3A_63 : vector<16xi32>
        %add3A_65 = vector.broadcast %mul3A_61 : i32 to vector<16xi32>
        %add3A_66 = arith.addi %add3A_65, %shift_right_arithmetic3A_64 : vector<16xi32>
        %shift_left3A_67 = arith.constant 20 : i32
        %shift_left3A_68 = vector.broadcast %shift_left3A_67 : i32 to vector<16xi32>
        %shift_left3A_69 = arith.shli %add3A_66, %shift_left3A_68 : vector<16xi32>
        %and3A_70 = arith.constant 7 : i32
        %and3A_71 = arith.andi %scan3A_20, %and3A_70 : i32
        %shift_left3A_72 = arith.constant 17 : i32
        %shift_left3A_73 = arith.shli %and3A_71, %shift_left3A_72 : i32
        %add3A_74 = vector.broadcast %shift_left3A_73 : i32 to vector<16xi32>
        %add3A_75 = arith.addi %shift_left3A_69, %add3A_74 : vector<16xi32>
        %and3A_76 = arith.constant 131071 : i32
        %and3A_77 = vector.broadcast %and3A_76 : i32 to vector<16xi32>
        %and3A_78 = arith.andi %get3A_57, %and3A_77 : vector<16xi32>
        %add3A_79 = arith.addi %add3A_75, %and3A_78 : vector<16xi32>
        %swap3A_80 = arith.index_cast %scan3A_20 : i32 to index
        %swap3A_81 = arith.index_cast %mul3A_29 : i32 to index
        %swap3A_82 = tpu.vector_load %arg11[%swap3A_80, %swap3A_81] {strides = array<i32>} : memref<32x512xi32, #tpu.memory_space<vmem>>, vector<1x16xi32>,
        %swap3A_83 = vector.shape_cast %swap3A_82 : vector<1x16xi32> to vector<16xi32>
        %swap3A_84 = vector.shape_cast %add3A_79 : vector<16xi32> to vector<1x16xi32>
        tpu.vector_store %arg11[%swap3A_80, %swap3A_81], %swap3A_84 {strides = array<i32>} : memref<32x512xi32, #tpu.memory_space<vmem>>, vector<1x16xi32>,
      }
      %scan3A_26 = arith.constant 32 : i32
    }
    %scan3A_7 = arith.constant 32 : i32
    %scan3A_8 = arith.constant 0 : i32
    %scan3A_9 = arith.constant 0 : i32
    %scan3A_10 = arith.constant 32 : i32
    %scan3A_11 = arith.addi %scan3A_9, %scan3A_10 : i32
    %scan3A_12 = arith.constant 1 : i32
    scf.for %scan3A_20 = %scan3A_9 to %scan3A_11 step %scan3A_12  : i32 {
      %dma_start3A = arith.constant 0 : i32
      %dma_start3A_21 = tpu.memref_slice %arg12[%scan3A_20, %dma_start3A] : memref<32x512xf32, #tpu.memory_space<vmem>> -> memref<1x512xf32, #tpu.memory_space<vmem>>
      %dma_start3A_22 = tpu.memref_squeeze %dma_start3A_21 : memref<1x512xf32, #tpu.memory_space<vmem>> -> memref<512xf32, #tpu.memory_space<vmem>>
      %dma_start3A_23 = arith.constant 0 : i32
      %dma_start3A_24 = tpu.memref_slice %arg10[%scan3A_20, %dma_start3A_23] : memref<32x512xi32, #tpu.memory_space<vmem>> -> memref<1x512xi32, #tpu.memory_space<vmem>>
      %dma_start3A_25 = tpu.memref_squeeze %dma_start3A_24 : memref<1x512xi32, #tpu.memory_space<vmem>> -> memref<512xi32, #tpu.memory_space<vmem>>
      %dma_start3A_26 = arith.constant 0 : i32
      %dma_start3A_27 = tpu.memref_slice %arg4[%dma_start3A_26] : memref<33554432xf32, #tpu.memory_space<hbm>> -> memref<33554432xf32, #tpu.memory_space<hbm>>
      tpu.enqueue_indirect_dma source(%dma_start3A_27 : memref<33554432xf32, #tpu.memory_space<hbm>>) target(%dma_start3A_22 : memref<512xf32, #tpu.memory_space<vmem>>) offsets(%dma_start3A_25 : memref<512xi32, #tpu.memory_space<vmem>>) semaphore(%arg14 : memref<!tpu.dma_semaphore, #tpu.memory_space<semaphore_mem>>)
      %dma_start3A_28 = arith.constant 0 : i32
      %dma_start3A_29 = tpu.memref_slice %arg13[%scan3A_20, %dma_start3A_28] : memref<32x512xf32, #tpu.memory_space<vmem>> -> memref<1x512xf32, #tpu.memory_space<vmem>>
      %dma_start3A_30 = tpu.memref_squeeze %dma_start3A_29 : memref<1x512xf32, #tpu.memory_space<vmem>> -> memref<512xf32, #tpu.memory_space<vmem>>
      %dma_start3A_31 = arith.constant 0 : i32
      %dma_start3A_32 = tpu.memref_slice %arg11[%scan3A_20, %dma_start3A_31] : memref<32x512xi32, #tpu.memory_space<vmem>> -> memref<1x512xi32, #tpu.memory_space<vmem>>
      %dma_start3A_33 = tpu.memref_squeeze %dma_start3A_32 : memref<1x512xi32, #tpu.memory_space<vmem>> -> memref<512xi32, #tpu.memory_space<vmem>>
      %dma_start3A_34 = arith.constant 0 : i32
      %dma_start3A_35 = tpu.memref_slice %arg5[%dma_start3A_34] : memref<4194304xf32, #tpu.memory_space<hbm>> -> memref<4194304xf32, #tpu.memory_space<hbm>>
      tpu.enqueue_indirect_dma source(%dma_start3A_35 : memref<4194304xf32, #tpu.memory_space<hbm>>) target(%dma_start3A_30 : memref<512xf32, #tpu.memory_space<vmem>>) offsets(%dma_start3A_33 : memref<512xi32, #tpu.memory_space<vmem>>) semaphore(%arg14 : memref<!tpu.dma_semaphore, #tpu.memory_space<semaphore_mem>>)
    }
    %scan3A_13 = arith.constant 32 : i32
    %scan3A_14 = arith.constant 0 : i32
    %scan3A_15 = arith.constant 0 : i32
    %scan3A_16 = arith.constant 32 : i32
    %scan3A_17 = arith.addi %scan3A_15, %scan3A_16 : i32
    %scan3A_18 = arith.constant 1 : i32
    scf.for %scan3A_20 = %scan3A_15 to %scan3A_17 step %scan3A_18  : i32 {
      %dma_wait3A = arith.constant 0 : i32
      %dma_wait3A_21 = arith.constant 0 : i32
      %dma_wait3A_22 = arith.constant 0 : i32
      %dma_wait3A_23 = tpu.memref_slice %arg12[%dma_wait3A_21, %dma_wait3A_22] : memref<32x512xf32, #tpu.memory_space<vmem>> -> memref<1x512xf32, #tpu.memory_space<vmem>>
      %dma_wait3A_24 = tpu.memref_squeeze %dma_wait3A_23 : memref<1x512xf32, #tpu.memory_space<vmem>> -> memref<512xf32, #tpu.memory_space<vmem>>
      %dma_wait3A_25 = arith.constant 0 : i32
      %dma_wait3A_26 = tpu.memref_slice %arg10[%dma_wait3A, %dma_wait3A_25] : memref<32x512xi32, #tpu.memory_space<vmem>> -> memref<1x512xi32, #tpu.memory_space<vmem>>
      %dma_wait3A_27 = tpu.memref_squeeze %dma_wait3A_26 : memref<1x512xi32, #tpu.memory_space<vmem>> -> memref<512xi32, #tpu.memory_space<vmem>>
      %dma_wait3A_28 = arith.constant 0 : i32
      %dma_wait3A_29 = tpu.memref_slice %arg4[%dma_wait3A_28] : memref<33554432xf32, #tpu.memory_space<hbm>> -> memref<33554432xf32, #tpu.memory_space<hbm>>
      tpu.wait_indirect_dma semaphore(%arg14 : memref<!tpu.dma_semaphore, #tpu.memory_space<semaphore_mem>>) src(%dma_wait3A_29 : memref<33554432xf32, #tpu.memory_space<hbm>>) dst(%dma_wait3A_24 : memref<512xf32, #tpu.memory_space<vmem>>)
      %dma_wait3A_30 = arith.constant 0 : i32
      %dma_wait3A_31 = arith.constant 0 : i32
      %dma_wait3A_32 = arith.constant 0 : i32
      %dma_wait3A_33 = tpu.memref_slice %arg13[%dma_wait3A_31, %dma_wait3A_32] : memref<32x512xf32, #tpu.memory_space<vmem>> -> memref<1x512xf32, #tpu.memory_space<vmem>>
      %dma_wait3A_34 = tpu.memref_squeeze %dma_wait3A_33 : memref<1x512xf32, #tpu.memory_space<vmem>> -> memref<512xf32, #tpu.memory_space<vmem>>
      %dma_wait3A_35 = arith.constant 0 : i32
      %dma_wait3A_36 = tpu.memref_slice %arg11[%dma_wait3A_30, %dma_wait3A_35] : memref<32x512xi32, #tpu.memory_space<vmem>> -> memref<1x512xi32, #tpu.memory_space<vmem>>
      %dma_wait3A_37 = tpu.memref_squeeze %dma_wait3A_36 : memref<1x512xi32, #tpu.memory_space<vmem>> -> memref<512xi32, #tpu.memory_space<vmem>>
      %dma_wait3A_38 = arith.constant 0 : i32
      %dma_wait3A_39 = tpu.memref_slice %arg5[%dma_wait3A_38] : memref<4194304xf32, #tpu.memory_space<hbm>> -> memref<4194304xf32, #tpu.memory_space<hbm>>
      tpu.wait_indirect_dma semaphore(%arg14 : memref<!tpu.dma_semaphore, #tpu.memory_space<semaphore_mem>>) src(%dma_wait3A_39 : memref<4194304xf32, #tpu.memory_space<hbm>>) dst(%dma_wait3A_34 : memref<512xf32, #tpu.memory_space<vmem>>)
    }
    %scan3A_19 = arith.constant 32 : i32
    "tpu.region"() ({
      %run_scoped3A = tpu.sem_alloc : memref<!tpu.dma_semaphore, #tpu.memory_space<semaphore_mem>>
      %dma_start3A = arith.constant 0 : i32
      %dma_start3A_20 = tpu.memref_slice %arg6[%dma_start3A, %mul3A_2] : memref<32x16384xf32, #tpu.memory_space<hbm>> -> memref<32x512xf32, #tpu.memory_space<hbm>>
      %dma_start3A_21 = arith.constant 0 : i32
      %dma_start3A_22 = tpu.memref_slice %arg6[%dma_start3A_21, %mul3A_2] : memref<32x16384xf32, #tpu.memory_space<hbm>> -> memref<32x512xf32, #tpu.memory_space<hbm>>
      tpu.enqueue_dma source(%arg12 : memref<32x512xf32, #tpu.memory_space<vmem>>) target(%dma_start3A_22 : memref<32x512xf32, #tpu.memory_space<hbm>>) target_semaphore(%run_scoped3A : memref<!tpu.dma_semaphore, #tpu.memory_space<semaphore_mem>>)
      %dma_wait3A = arith.constant 0 : i32
      %dma_wait3A_23 = tpu.memref_slice %arg6[%dma_wait3A, %mul3A_2] : memref<32x16384xf32, #tpu.memory_space<hbm>> -> memref<32x512xf32, #tpu.memory_space<hbm>>
      %dma_wait3A_24 = arith.constant 0 : i32
      %dma_wait3A_25 = tpu.memref_slice %arg6[%dma_wait3A_24, %mul3A_2] : memref<32x16384xf32, #tpu.memory_space<hbm>> -> memref<32x512xf32, #tpu.memory_space<hbm>>
      tpu.wait_dma2 semaphore(%run_scoped3A : memref<!tpu.dma_semaphore, #tpu.memory_space<semaphore_mem>>) src(%arg12 : memref<32x512xf32, #tpu.memory_space<vmem>>) dst(%dma_wait3A_25 : memref<32x512xf32, #tpu.memory_space<hbm>>)
      tpu.yield
    }) : () -> ()
    "tpu.region"() ({
      %run_scoped3A = tpu.sem_alloc : memref<!tpu.dma_semaphore, #tpu.memory_space<semaphore_mem>>
      %dma_start3A = arith.constant 0 : i32
      %dma_start3A_20 = tpu.memref_slice %arg7[%dma_start3A, %mul3A_2] : memref<32x16384xf32, #tpu.memory_space<hbm>> -> memref<32x512xf32, #tpu.memory_space<hbm>>
      %dma_start3A_21 = arith.constant 0 : i32
      %dma_start3A_22 = tpu.memref_slice %arg7[%dma_start3A_21, %mul3A_2] : memref<32x16384xf32, #tpu.memory_space<hbm>> -> memref<32x512xf32, #tpu.memory_space<hbm>>
      tpu.enqueue_dma source(%arg13 : memref<32x512xf32, #tpu.memory_space<vmem>>) target(%dma_start3A_22 : memref<32x512xf32, #tpu.memory_space<hbm>>) target_semaphore(%run_scoped3A : memref<!tpu.dma_semaphore, #tpu.memory_space<semaphore_mem>>)
      %dma_wait3A = arith.constant 0 : i32
      %dma_wait3A_23 = tpu.memref_slice %arg7[%dma_wait3A, %mul3A_2] : memref<32x16384xf32, #tpu.memory_space<hbm>> -> memref<32x512xf32, #tpu.memory_space<hbm>>
      %dma_wait3A_24 = arith.constant 0 : i32
      %dma_wait3A_25 = tpu.memref_slice %arg7[%dma_wait3A_24, %mul3A_2] : memref<32x16384xf32, #tpu.memory_space<hbm>> -> memref<32x512xf32, #tpu.memory_space<hbm>>
      tpu.wait_dma2 semaphore(%run_scoped3A : memref<!tpu.dma_semaphore, #tpu.memory_space<semaphore_mem>>) src(%arg13 : memref<32x512xf32, #tpu.memory_space<vmem>>) dst(%dma_wait3A_25 : memref<32x512xf32, #tpu.memory_space<hbm>>)
      tpu.yield
    }) : () -> ()
    return
  }
}

module attributes {stable_mosaic.version = 14 : i64} {
  func.func @_detile_body(%arg0: i32, %arg1: i32, %arg2: memref<8x131072xf32, #tpu.memory_space<vmem>>, %arg3: memref<1048576xf32, #tpu.memory_space<vmem>>) attributes {dimension_semantics = [#tpu.dimension_semantics<arbitrary>, #tpu.dimension_semantics<arbitrary>], iteration_bounds = array<i64: 4, 8>, scalar_prefetch = 0 : i64, scratch_operands = 0 : i64, tpu.core_type = #tpu.core_type<tc>, window_params = [{transform_indices = @transform_0, window_bounds = array<i64: 8, 131072>}, {transform_indices = @transform_1, window_bounds = array<i64: 1048576>}]} {
    %get3A = arith.constant 0 : index
    %get3A_0 = arith.constant 0 : index
    %get3A_1 = vector.load %arg2[%get3A, %get3A_0] : memref<8x131072xf32, #tpu.memory_space<vmem>>, vector<8x131072xf32>
    %reshape3A = vector.shape_cast %get3A_1 : vector<8x131072xf32> to vector<1048576xf32>
    %swap3A = arith.constant 0 : index
    %swap3A_2 = vector.load %arg3[%swap3A] : memref<1048576xf32, #tpu.memory_space<vmem>>, vector<1048576xf32>
    tpu.vector_store %arg3[%swap3A], %reshape3A {strides = array<i32>} : memref<1048576xf32, #tpu.memory_space<vmem>>, vector<1048576xf32>,
    return
  }
  func.func @transform_0(%arg0: i32, %arg1: i32) -> (i32, i32) {
    %c0_i32 = arith.constant 0 : i32
    return %arg0, %arg1 : i32, i32
  }
  func.func @transform_1(%arg0: i32, %arg1: i32) -> i32 {
    %mul3A = arith.constant 8 : i32
    %mul3A_0 = arith.muli %arg0, %mul3A : i32
    %add3A = arith.addi %mul3A_0, %arg1 : i32
    %c0_i32 = arith.constant 0 : i32
    return %add3A : i32
  }
}

module attributes {stable_mosaic.version = 14 : i64} {
  func.func @_detile_body(%arg0: i32, %arg1: i32, %arg2: memref<8x131072xf32, #tpu.memory_space<vmem>>, %arg3: memref<1048576xf32, #tpu.memory_space<vmem>>) attributes {dimension_semantics = [#tpu.dimension_semantics<arbitrary>, #tpu.dimension_semantics<arbitrary>], iteration_bounds = array<i64: 4, 1>, scalar_prefetch = 0 : i64, scratch_operands = 0 : i64, tpu.core_type = #tpu.core_type<tc>, window_params = [{transform_indices = @transform_0, window_bounds = array<i64: 8, 131072>}, {transform_indices = @transform_1, window_bounds = array<i64: 1048576>}]} {
    %get3A = arith.constant 0 : index
    %get3A_0 = arith.constant 0 : index
    %get3A_1 = vector.load %arg2[%get3A, %get3A_0] : memref<8x131072xf32, #tpu.memory_space<vmem>>, vector<8x131072xf32>
    %reshape3A = vector.shape_cast %get3A_1 : vector<8x131072xf32> to vector<1048576xf32>
    %swap3A = arith.constant 0 : index
    %swap3A_2 = vector.load %arg3[%swap3A] : memref<1048576xf32, #tpu.memory_space<vmem>>, vector<1048576xf32>
    tpu.vector_store %arg3[%swap3A], %reshape3A {strides = array<i32>} : memref<1048576xf32, #tpu.memory_space<vmem>>, vector<1048576xf32>,
    return
  }
  func.func @transform_0(%arg0: i32, %arg1: i32) -> (i32, i32) {
    %c0_i32 = arith.constant 0 : i32
    return %arg0, %arg1 : i32, i32
  }
  func.func @transform_1(%arg0: i32, %arg1: i32) -> i32 {
    %mul3A = arith.constant 1 : i32
    %mul3A_0 = arith.muli %arg0, %mul3A : i32
    %add3A = arith.addi %mul3A_0, %arg1 : i32
    %c0_i32 = arith.constant 0 : i32
    return %add3A : i32
  }
}

module attributes {stable_mosaic.version = 14 : i64} {
  func.func @_mlp_body(%arg0: i32, %arg1: memref<32x4096xf32, #tpu.memory_space<vmem>>, %arg2: memref<32x4096xf32, #tpu.memory_space<vmem>>, %arg3: memref<4096x32xf32, #tpu.memory_space<vmem>>, %arg4: memref<4096x32xf32, #tpu.memory_space<vmem>>, %arg5: memref<4096x32xf32, #tpu.memory_space<vmem>>, %arg6: memref<160x64xf32, #tpu.memory_space<vmem>>, %arg7: memref<64xf32, #tpu.memory_space<vmem>>, %arg8: memref<64x32xf32, #tpu.memory_space<vmem>>, %arg9: memref<32xf32, #tpu.memory_space<vmem>>, %arg10: memref<32x1xf32, #tpu.memory_space<vmem>>, %arg11: memref<1xf32, #tpu.memory_space<vmem>>, %arg12: memref<4096x1xf32, #tpu.memory_space<vmem>>) attributes {dimension_semantics = [#tpu.dimension_semantics<arbitrary>], iteration_bounds = array<i64: 4>, scalar_prefetch = 0 : i64, scratch_operands = 0 : i64, tpu.core_type = #tpu.core_type<tc>, window_params = [{transform_indices = @transform_0, window_bounds = array<i64: 32, 4096>}, {transform_indices = @transform_1, window_bounds = array<i64: 32, 4096>}, {transform_indices = @transform_2, window_bounds = array<i64: 4096, 32>}, {transform_indices = @transform_3, window_bounds = array<i64: 4096, 32>}, {transform_indices = @transform_4, window_bounds = array<i64: 4096, 32>}, {pipeline_mode = #tpu.pipeline_mode<synchronous>, transform_indices = @transform_5, window_bounds = array<i64: 160, 64>}, {pipeline_mode = #tpu.pipeline_mode<synchronous>, transform_indices = @transform_6, window_bounds = array<i64: 64>}, {pipeline_mode = #tpu.pipeline_mode<synchronous>, transform_indices = @transform_7, window_bounds = array<i64: 64, 32>}, {pipeline_mode = #tpu.pipeline_mode<synchronous>, transform_indices = @transform_8, window_bounds = array<i64: 32>}, {pipeline_mode = #tpu.pipeline_mode<synchronous>, transform_indices = @transform_9, window_bounds = array<i64: 32, 1>}, {pipeline_mode = #tpu.pipeline_mode<synchronous>, transform_indices = @transform_10, window_bounds = array<i64: 1>}, {transform_indices = @transform_11, window_bounds = array<i64: 4096, 1>}]} {
    %get3A = arith.constant 0 : index
    %get3A_0 = arith.constant 0 : index
    %get3A_1 = vector.load %arg1[%get3A, %get3A_0] : memref<32x4096xf32, #tpu.memory_space<vmem>>, vector<32x4096xf32>
    %get3A_2 = arith.constant 0 : index
    %get3A_3 = arith.constant 0 : index
    %get3A_4 = vector.load %arg6[%get3A_2, %get3A_3] : memref<160x64xf32, #tpu.memory_space<vmem>>, vector<32x64xf32>
    %dot_general3A = arith.constant dense<0.000000e+00> : vector<4096x64xf32>
    %dot_general3A_5 = tpu.matmul %get3A_1, %get3A_4, %dot_general3A {dimension_numbers = #tpu.dot_dimension_numbers<[0], [0], [1], [1], [0, 1, 1, 1], [], []>, transpose_lhs_hint = false} : vector<32x4096xf32>, vector<32x64xf32>, vector<4096x64xf32> -> vector<4096x64xf32>
    %get3A_6 = arith.constant 0 : index
    %get3A_7 = arith.constant 0 : index
    %get3A_8 = vector.load %arg2[%get3A_6, %get3A_7] : memref<32x4096xf32, #tpu.memory_space<vmem>>, vector<32x4096xf32>
    %get3A_9 = arith.constant 32 : index
    %get3A_10 = arith.constant 0 : index
    %get3A_11 = vector.load %arg6[%get3A_9, %get3A_10] : memref<160x64xf32, #tpu.memory_space<vmem>>, vector<32x64xf32>
    %dot_general3A_12 = arith.constant dense<0.000000e+00> : vector<4096x64xf32>
    %dot_general3A_13 = tpu.matmul %get3A_8, %get3A_11, %dot_general3A_12 {dimension_numbers = #tpu.dot_dimension_numbers<[0], [0], [1], [1], [0, 1, 1, 1], [], []>, transpose_lhs_hint = false} : vector<32x4096xf32>, vector<32x64xf32>, vector<4096x64xf32> -> vector<4096x64xf32>
    %add3A = arith.addf %dot_general3A_5, %dot_general3A_13 : vector<4096x64xf32>
    %get3A_14 = arith.constant 0 : index
    %get3A_15 = arith.constant 0 : index
    %get3A_16 = vector.load %arg3[%get3A_14, %get3A_15] : memref<4096x32xf32, #tpu.memory_space<vmem>>, vector<4096x32xf32>
    %mul3A = arith.constant 5.000000e-02 : f32
    %mul3A_17 = vector.broadcast %mul3A : f32 to vector<4096x32xf32>
    %mul3A_18 = arith.mulf %get3A_16, %mul3A_17 : vector<4096x32xf32>
    %get3A_19 = arith.constant 64 : index
    %get3A_20 = arith.constant 0 : index
    %get3A_21 = vector.load %arg6[%get3A_19, %get3A_20] : memref<160x64xf32, #tpu.memory_space<vmem>>, vector<32x64xf32>
    %dot_general3A_22 = arith.constant dense<0.000000e+00> : vector<4096x64xf32>
    %dot_general3A_23 = tpu.matmul %mul3A_18, %get3A_21, %dot_general3A_22 {dimension_numbers = #tpu.dot_dimension_numbers<[1], [0], [0], [1], [0, 0, 1, 1], [], []>, transpose_lhs_hint = false} : vector<4096x32xf32>, vector<32x64xf32>, vector<4096x64xf32> -> vector<4096x64xf32>
    %add3A_24 = arith.addf %add3A, %dot_general3A_23 : vector<4096x64xf32>
    %get3A_25 = arith.constant 0 : index
    %get3A_26 = arith.constant 0 : index
    %get3A_27 = vector.load %arg4[%get3A_25, %get3A_26] : memref<4096x32xf32, #tpu.memory_space<vmem>>, vector<4096x32xf32>
    %mul3A_28 = arith.constant 2.500000e-01 : f32
    %mul3A_29 = vector.broadcast %mul3A_28 : f32 to vector<4096x32xf32>
    %mul3A_30 = arith.mulf %get3A_27, %mul3A_29 : vector<4096x32xf32>
    %get3A_31 = arith.constant 96 : index
    %get3A_32 = arith.constant 0 : index
    %get3A_33 = vector.load %arg6[%get3A_31, %get3A_32] : memref<160x64xf32, #tpu.memory_space<vmem>>, vector<32x64xf32>
    %dot_general3A_34 = arith.constant dense<0.000000e+00> : vector<4096x64xf32>
    %dot_general3A_35 = tpu.matmul %mul3A_30, %get3A_33, %dot_general3A_34 {dimension_numbers = #tpu.dot_dimension_numbers<[1], [0], [0], [1], [0, 0, 1, 1], [], []>, transpose_lhs_hint = false} : vector<4096x32xf32>, vector<32x64xf32>, vector<4096x64xf32> -> vector<4096x64xf32>
    %add3A_36 = arith.addf %add3A_24, %dot_general3A_35 : vector<4096x64xf32>
    %get3A_37 = arith.constant 0 : index
    %get3A_38 = arith.constant 0 : index
    %get3A_39 = vector.load %arg5[%get3A_37, %get3A_38] : memref<4096x32xf32, #tpu.memory_space<vmem>>, vector<4096x32xf32>
    %mul3A_40 = arith.constant 1.250000e-01 : f32
    %mul3A_41 = vector.broadcast %mul3A_40 : f32 to vector<4096x32xf32>
    %mul3A_42 = arith.mulf %get3A_39, %mul3A_41 : vector<4096x32xf32>
    %get3A_43 = arith.constant 128 : index
    %get3A_44 = arith.constant 0 : index
    %get3A_45 = vector.load %arg6[%get3A_43, %get3A_44] : memref<160x64xf32, #tpu.memory_space<vmem>>, vector<32x64xf32>
    %dot_general3A_46 = arith.constant dense<0.000000e+00> : vector<4096x64xf32>
    %dot_general3A_47 = tpu.matmul %mul3A_42, %get3A_45, %dot_general3A_46 {dimension_numbers = #tpu.dot_dimension_numbers<[1], [0], [0], [1], [0, 0, 1, 1], [], []>, transpose_lhs_hint = false} : vector<4096x32xf32>, vector<32x64xf32>, vector<4096x64xf32> -> vector<4096x64xf32>
    %add3A_48 = arith.addf %add3A_36, %dot_general3A_47 : vector<4096x64xf32>
    %get3A_49 = arith.constant 0 : index
    %get3A_50 = vector.load %arg7[%get3A_49] : memref<64xf32, #tpu.memory_space<vmem>>, vector<64xf32>
    %broadcast_in_dim3A = vector.shape_cast %get3A_50 : vector<64xf32> to vector<1x64xf32>
    %add3A_51 = vector.broadcast %broadcast_in_dim3A : vector<1x64xf32> to vector<4096x64xf32>
    %add3A_52 = arith.addf %add3A_48, %add3A_51 : vector<4096x64xf32>
    %max3A = arith.constant 0.000000e+00 : f32
    %max3A_53 = vector.broadcast %max3A : f32 to vector<4096x64xf32>
    %max3A_54 = arith.maximumf %add3A_52, %max3A_53 : vector<4096x64xf32>
    %get3A_55 = arith.constant 0 : index
    %get3A_56 = arith.constant 0 : index
    %get3A_57 = vector.load %arg8[%get3A_55, %get3A_56] : memref<64x32xf32, #tpu.memory_space<vmem>>, vector<64x32xf32>
    %dot_general3A_58 = arith.constant dense<0.000000e+00> : vector<4096x32xf32>
    %dot_general3A_59 = tpu.matmul %max3A_54, %get3A_57, %dot_general3A_58 {dimension_numbers = #tpu.dot_dimension_numbers<[1], [0], [0], [1], [0, 0, 1, 1], [], []>, transpose_lhs_hint = false} : vector<4096x64xf32>, vector<64x32xf32>, vector<4096x32xf32> -> vector<4096x32xf32>
    %get3A_60 = arith.constant 0 : index
    %get3A_61 = vector.load %arg9[%get3A_60] : memref<32xf32, #tpu.memory_space<vmem>>, vector<32xf32>
    %broadcast_in_dim3A_62 = vector.shape_cast %get3A_61 : vector<32xf32> to vector<1x32xf32>
    %add3A_63 = vector.broadcast %broadcast_in_dim3A_62 : vector<1x32xf32> to vector<4096x32xf32>
    %add3A_64 = arith.addf %dot_general3A_59, %add3A_63 : vector<4096x32xf32>
    %max3A_65 = arith.constant 0.000000e+00 : f32
    %max3A_66 = vector.broadcast %max3A_65 : f32 to vector<4096x32xf32>
    %max3A_67 = arith.maximumf %add3A_64, %max3A_66 : vector<4096x32xf32>
    %get3A_68 = arith.constant 0 : index
    %get3A_69 = arith.constant 0 : index
    %get3A_70 = vector.load %arg10[%get3A_68, %get3A_69] : memref<32x1xf32, #tpu.memory_space<vmem>>, vector<32x1xf32>
    %dot_general3A_71 = arith.constant dense<0.000000e+00> : vector<4096x1xf32>
    %dot_general3A_72 = tpu.matmul %max3A_67, %get3A_70, %dot_general3A_71 {dimension_numbers = #tpu.dot_dimension_numbers<[1], [0], [0], [1], [0, 0, 1, 1], [], []>, transpose_lhs_hint = false} : vector<4096x32xf32>, vector<32x1xf32>, vector<4096x1xf32> -> vector<4096x1xf32>
    %get3A_73 = arith.constant 0 : index
    %get3A_74 = vector.load %arg11[%get3A_73] : memref<1xf32, #tpu.memory_space<vmem>>, vector<1xf32>
    %broadcast_in_dim3A_75 = vector.shape_cast %get3A_74 : vector<1xf32> to vector<1x1xf32>
    %add3A_76 = vector.broadcast %broadcast_in_dim3A_75 : vector<1x1xf32> to vector<4096x1xf32>
    %add3A_77 = arith.addf %dot_general3A_72, %add3A_76 : vector<4096x1xf32>
    %swap3A = arith.constant 0 : index
    %swap3A_78 = arith.constant 0 : index
    %swap3A_79 = vector.load %arg12[%swap3A, %swap3A_78] : memref<4096x1xf32, #tpu.memory_space<vmem>>, vector<4096x1xf32>
    tpu.vector_store %arg12[%swap3A, %swap3A_78], %add3A_77 {strides = array<i32>} : memref<4096x1xf32, #tpu.memory_space<vmem>>, vector<4096x1xf32>,
    return
  }
  func.func @transform_0(%arg0: i32) -> (i32, i32) {
    %c0_i32 = arith.constant 0 : i32
    %c0_i32_0 = arith.constant 0 : i32
    return %c0_i32, %arg0 : i32, i32
  }
  func.func @transform_1(%arg0: i32) -> (i32, i32) {
    %c0_i32 = arith.constant 0 : i32
    %c0_i32_0 = arith.constant 0 : i32
    return %c0_i32, %arg0 : i32, i32
  }
  func.func @transform_2(%arg0: i32) -> (i32, i32) {
    %c0_i32 = arith.constant 0 : i32
    %c0_i32_0 = arith.constant 0 : i32
    return %arg0, %c0_i32 : i32, i32
  }
  func.func @transform_3(%arg0: i32) -> (i32, i32) {
    %c0_i32 = arith.constant 0 : i32
    %c0_i32_0 = arith.constant 0 : i32
    return %arg0, %c0_i32 : i32, i32
  }
  func.func @transform_4(%arg0: i32) -> (i32, i32) {
    %c0_i32 = arith.constant 0 : i32
    %c0_i32_0 = arith.constant 0 : i32
    return %arg0, %c0_i32 : i32, i32
  }
  func.func @transform_5(%arg0: i32) -> (i32, i32) {
    %c0_i32 = arith.constant 0 : i32
    %c0_i32_0 = arith.constant 0 : i32
    %c0_i32_1 = arith.constant 0 : i32
    return %c0_i32, %c0_i32_0 : i32, i32
  }
  func.func @transform_6(%arg0: i32) -> i32 {
    %c0_i32 = arith.constant 0 : i32
    %c0_i32_0 = arith.constant 0 : i32
    return %c0_i32 : i32
  }
  func.func @transform_7(%arg0: i32) -> (i32, i32) {
    %c0_i32 = arith.constant 0 : i32
    %c0_i32_0 = arith.constant 0 : i32
    %c0_i32_1 = arith.constant 0 : i32
    return %c0_i32, %c0_i32_0 : i32, i32
  }
  func.func @transform_8(%arg0: i32) -> i32 {
    %c0_i32 = arith.constant 0 : i32
    %c0_i32_0 = arith.constant 0 : i32
    return %c0_i32 : i32
  }
  func.func @transform_9(%arg0: i32) -> (i32, i32) {
    %c0_i32 = arith.constant 0 : i32
    %c0_i32_0 = arith.constant 0 : i32
    %c0_i32_1 = arith.constant 0 : i32
    return %c0_i32, %c0_i32_0 : i32, i32
  }
  func.func @transform_10(%arg0: i32) -> i32 {
    %c0_i32 = arith.constant 0 : i32
    %c0_i32_0 = arith.constant 0 : i32
    return %c0_i32 : i32
  }
  func.func @transform_11(%arg0: i32) -> (i32, i32) {
    %c0_i32 = arith.constant 0 : i32
    %c0_i32_0 = arith.constant 0 : i32
    return %arg0, %c0_i32 : i32, i32
  }
}

</mosaic_0001>

<sc_bundles>
// kernel: kernel.10.cloned.1.call-start
scs
__scs_entry_jumppad:
0x0: {  	(pc) =	sbr.rel $0x88, $3  }
0x1: {  	(tag) =	ssettag $0x0;
	lr =	simm.s32 $0x1  }
0x2: {  	[smem:$0x3F91] =	sst lr;
	_ =	strace $0xD0000000  }
0x3: {  	_ = 	snop  }
0x4: {  	_ = 	snop  }
0x5: {  	_ = 	snop  }
0x6: {  	_ = 	snop  }
0x7: {  	_ = 	snop  }
__scs_overlays_trampoline_lowered:
0x8: {  	[smem:$0x3FA0] =	sst s0  }
0x9: {  	[smem:$0x3FA1] =	sst s1  }
0xa: {  	[smem:$0x3FA2] =	sst s2  }
0xb: {  	[smem:$0x3FA3] =	sst s3  }
0xc: {  	[smem:$0x3FA4] =	sst s4  }
0xd: {  	[smem:$0x3FA5] =	sst s5  }
0xe: {  	[smem:$0x3FA6] =	sst s6  }
0xf: {  	[smem:$0x3FA7] =	sst s7  }
0x10: {  	[smem:$0x3FA8] =	sst s8  }
0x11: {  	[smem:$0x3FA9] =	sst s9;
	s0 =	simm.s32 @!p0 $0x0  }
0x12: {  	s1 =	sld [smem:$0x3F8F];
	s0 =	simm.s32 @p0 $0x1  }
0x13: {  	[smem:$0x3FAA] =	sst s0;
	s0 =	simm.s32 @!p1 $0x0  }
0x14: {  	s2 =	sld [smem:$0x3F8E];
	s0 =	simm.s32 @p1 $0x1  }
0x15: {  	[smem:$0x3FAB] =	sst s0;
	s0 =	simm.s32 @!p2 $0x0  }
0x16: {  	s3 =	sld [smem:$0x3FDB];
	s0 =	simm.s32 @p2 $0x1  }
0x17: {  	s4 =	simm.s32 $0x1BF5;
	[smem:$0x3FAD] =	sst s0  }
0x18: {  	s0 =	sld [smem:$0x3F90];
	_ =	swait.ge [sflag:s4], $0x0  }
0x19: {  	s7 =	sld [smem:$0x3F91]  }
0x1a: {  	s8 =	sadd.s32 $0xFFFFE003, lr  }
0x1b: {  	s9 =	sadd.s32 $0xFFFFFEF7, lr;
	s5 =	simm.s32 $0xFFFFFFFF;
	p2 =	slt.u32 s8, $0xFFFFF086  }
0x1c: {  	p1 =	slt.u32 s9, $0xF7A;
	s5 =	simm.s32 @!p2 $0x0  }
0x1d: {  	s5 =	simm.s32 @p1 $0x1;
	p0 =	seq.s32 s7, s2  }
0x1e: {  	s7 =	smul.u32 @!p0 $0xF7A, s2;
	p2 =	seq.s32 @!p0 s5, $0x0  }
0x1f: {  	s9 =	smul.u32 $0xF7A, s1;
	s8 =	simm.s32 @!p0 $0x1BF5;
	p2 =	por !p2, p0  }
0x20: {  	[sflag:s8] =	ssyncset.s32 @!p0 $0xFFFFF086;
	s6 =	sadd.s32 @!p0 s3, s7;
	s7 =	simm.s32 @!p0 $0x108  }
0x21: {  	s3 =	sadd.s32 s3, s9;
	s6 =	sadd.s32 @!p0 $0x88, s6;
	s7 =	simm.s32 @p2 $0x1082  }
0x22: {  	[simem:s7], [sflag:s8] =	dma.local @!p0 [hbm:s6], $0xF7A  }
0x23: {  	s9 =	sor.u32 $0xD0000000, s2;
	s6 =	simm.s32 $0x108;
	_ =	swait.ge @!p0 [sflag:s8], $0x0  }
0x24: {  	s3 =	sadd.s32 $0x88, s3;
	s6 =	simm.s32 @!p1 $0x1082;
	[sflag:s4] =	ssyncset.s32 $0xFFFFF086  }
0x25: {  	[simem:s6], [sflag:s4] =	dma.local [hbm:s3], $0xF7A  }
0x26: {  	[smem:$0x3F91] =	sst s1;
	(tag) =	ssettag s2;
	_ =	strace s9  }
0x27: {  	s1 =	sld [smem:$0x3FA1]  }
0x28: {  	s2 =	sld [smem:$0x3FA2]  }
0x29: {  	s4 =	sld [smem:$0x3FA4]  }
0x2a: {  	p0 =	seq.s32 s5, $0x0;
	s5 =	sld [smem:$0x3FA5]  }
0x2b: {  	s6 =	sld [smem:$0x3FA6]  }
0x2c: {  	s7 =	sld [smem:$0x3FA7]  }
0x2d: {  	s3 =	simm.s32 $0x108;
	s8 =	sld [smem:$0x3FA8]  }
0x2e: {  	s3 =	simm.s32 @!p0 $0x1082;
	s9 =	sld [smem:$0x3FA9]  }
0x2f: {  	lr =	sadd.s32 s0, s3;
	s0 =	sld [smem:$0x3FA0]  }
0x30: {  	s3 =	sld [smem:$0x3FA3]  }
0x31: {  	[smem:$0x3FAC] =	sst s10  }
0x32: {  	s10 =	sld [smem:$0x3FAA];
	_ =	sdelay $0x3  }
0x33: {  	p0 =	seq.s32 s10, $0x1;
	s10 =	sld [smem:$0x3FAC];
	_ =	sdelay $0x3  }
0x34: {  	[smem:$0x3FAC] =	sst s10  }
0x35: {  	s10 =	sld [smem:$0x3FAB];
	_ =	sdelay $0x3  }
0x36: {  	p1 =	seq.s32 s10, $0x1;
	s10 =	sld [smem:$0x3FAC];
	_ =	sdelay $0x3  }
0x37: {  	[smem:$0x3FAC] =	sst s10  }
0x38: {  	s10 =	sld [smem:$0x3FAD]  }
0x39: {  	_ = 	snop;
	(pc) =	sbr.ind lr, $3  }
0x3a: {  	_ = 	snop  }
0x3b: {  	_ = 	snop  }
0x3c: {  	p2 =	seq.s32 s10, $0x1;
	s10 =	sld [smem:$0x3FAC]  }
0x3d: {  	_ =	shalt  }
0x3e: {  	_ =	shalt  }
0x3f: {  	_ =	shalt  }
0x40: {  	_ =	shalt  }
0x41: {  	_ =	shalt  }
0x42: {  	_ =	shalt  }
0x43: {  	_ =	shalt  }
0x44: {  	_ =	shalt  }
0x45: {  	_ =	shalt  }
0x46: {  	_ =	shalt  }
0x47: {  	_ =	shalt  }
0x48: {  	_ =	shalt  }
0x49: {  	_ =	shalt  }
0x4a: {  	_ =	shalt  }
0x4b: {  	_ =	shalt  }
0x4c: {  	_ =	shalt  }
0x4d: {  	_ =	shalt  }
0x4e: {  	_ =	shalt  }
0x4f: {  	_ =	shalt  }
0x50: {  	_ =	shalt  }
0x51: {  	_ =	shalt  }
0x52: {  	_ =	shalt  }
0x53: {  	_ =	shalt  }
0x54: {  	_ =	shalt  }
0x55: {  	_ =	shalt  }
0x56: {  	_ =	shalt  }
0x57: {  	_ =	shalt  }
0x58: {  	_ =	shalt  }
0x59: {  	_ =	shalt  }
0x5a: {  	_ =	shalt  }
0x5b: {  	_ =	shalt  }
0x5c: {  	_ =	shalt  }
0x5d: {  	_ =	shalt  }
0x5e: {  	_ =	shalt  }
0x5f: {  	_ =	shalt  }
0x60: {  	_ =	shalt  }
0x61: {  	_ =	shalt  }
0x62: {  	_ =	shalt  }
0x63: {  	_ =	shalt  }
0x64: {  	_ =	shalt  }
0x65: {  	_ =	shalt  }
0x66: {  	_ =	shalt  }
0x67: {  	_ =	shalt  }
0x68: {  	_ =	shalt  }
0x69: {  	_ =	shalt  }
0x6a: {  	_ =	shalt  }
0x6b: {  	_ =	shalt  }
0x6c: {  	_ =	shalt  }
0x6d: {  	_ =	shalt  }
0x6e: {  	_ =	shalt  }
0x6f: {  	_ =	shalt  }
0x70: {  	_ =	shalt  }
0x71: {  	_ =	shalt  }
0x72: {  	_ =	shalt  }
0x73: {  	_ =	shalt  }
0x74: {  	_ =	shalt  }
0x75: {  	_ =	shalt  }
0x76: {  	_ =	shalt  }
0x77: {  	_ =	shalt  }
0x78: {  	_ =	shalt  }
0x79: {  	_ =	shalt  }
0x7a: {  	_ =	shalt  }
0x7b: {  	_ =	shalt  }
0x7c: {  	_ =	shalt  }
0x7d: {  	_ =	shalt  }
0x7e: {  	_ =	shalt  }
0x7f: {  	_ =	shalt  }
0x80: {  	_ =	shalt  }
0x81: {  	_ =	shalt  }
0x82: {  	_ =	shalt  }
0x83: {  	_ =	shalt  }
0x84: {  	_ =	shalt  }
0x85: {  	_ =	shalt  }
0x86: {  	_ =	shalt  }
0x87: {  	_ =	shalt  }
.Lfunc_end0:
.L_simem_size_0:
called_computation.1_lowered:
.L_overlay_start_0:
0x88: {  	s2 =	sld [smem:$0x3FD9]  }
0x89: {  	s3 =	sld [smem:$0x3FFE];
	_ =	sdelay $0x1  }
0x8a: {  	s1 =	srdreg.scid  }
0x8b: {  	s0 =	sand.u32 $0x1, s1  }
0x8c: {  	s17 =	sshll.u32 s0, $0xA;
	s2 =	sadd.s32 s3, s2  }
0x8d: {  	s2 =	sadd.s32 s2, s17  }
0x8e: {  	[smem:$0x3FB8] =	sst s2  }
0x8f: {  	_ = 	snop  }
0x90: {  	s2 =	sld [smem:$0x3FC9]  }
0x91: {  	s18 =	sld [smem:$0x3FC8];
	(tm) =	ssettm $0x1  }
0x92: {  	s4 =	sld [smem:$0x3FFB];
	_ =	sdelay $0x3  }
0x93: {  	_ =	strace s4  }
0x94: {  	s4 =	sld [smem:$0x3FFC];
	_ =	sdelay $0x3  }
0x95: {  	_ =	strace s4  }
0x96: {  	s4 =	sld [smem:$0x3FFD];
	_ =	sdelay $0x3  }
0x97: {  	_ =	strace s4  }
0x98: {  	_ =	strace $0x8FFFFFFF  }
0x99: {  	s19 =	sld [smem:$0x3FDB];
	_ =	sdelay $0x1  }
0x9a: {  	s5 =	simm.s32 $_scs_section_size  }
0x9b: {  	s6 =	simm.s32 $_size__tile_overlayer_lowered;
	s7 =	simm.s32 $_tile_overlayer_lowered  }
0x9c: {  	s22 =	simm.s32 $0x1BFF;
	s21 =	sshll.u32 s7, $0x1;
	s4 =	sadd.s32 s5, s19  }
0x9d: {  	s8 =	simm.s32 $0x0;
	s20 =	sshll.u32 s6, $0x1;
	s6 =	sadd.s32 s21, s4  }
0x9e: {  	[timem:s8], [sflag:s22] =	dma.local [hbm:s6], s20  }
0x9f: {  	_ =	swait.ge [sflag:s22], s20  }
0xa0: {  	s5 =	ssub.s32 $0x0, s20;
	[sflag:s22] =	ssyncset.done $0x0  }
0xa1: {  	[sflag:s22] =	ssyncadd.s32 s5;
	_ =	sdelay $0x1  }
0xa2: {  	s23 =	simm.s32 $0x1B8B  }
0xa3: {  	_ =	swait.ge [sflag:s23], $0x1  }
0xa4: {  	[sflag:s23] =	ssyncset.done $0x0  }
0xa5: {  	s25 =	simm.s32 $0x1B8E;
	s24 =	sld [smem:$0x3FFE];
	[sflag:s23] =	ssyncadd.s32 $0xFFFFFFFF  }
0xa6: {  	s26 =	simm.s32 $execute0_lowered;
	[smem:$0x3FD2] =	sst s25  }
0xa7: {  	s6 =	sshll.u32 s26, $0x1;
	_ =	strace $0x80000046;
	[dreg:$0x1] =	wrdreg $0xFFFFFFFF  }
0xa8: {  	s28 =	simm.s32 $_size_execute0_lowered;
	s4 =	sadd.s32 s4, s6;
	[dreg:$0x0] =	wrdreg $0x0  }
0xa9: {  	s6 =	sshll.u32 s28, $0x1;
	[dreg:$0x2] =	wrdreg s4  }
0xaa: {  	[dreg:$0x3] =	wrdreg s6  }
0xab: {  	[dreg:$0x4] =	wrdreg $0xC0  }
0xac: {  	_ =	task [dreg:s8], $0x5FFFF  }
0xad: {  	[dreg:$0x1] =	wrdreg $0xFFFFFFFF  }
0xae: {  	[dreg:$0x0] =	wrdreg $0x60  }
0xaf: {  	[dreg:$0x2] =	wrdreg s2  }
0xb0: {  	[dreg:$0x3] =	wrdreg s18  }
0xb1: {  	[dreg:$0x4] =	wrdreg s24  }
0xb2: {  	[dreg:$0x5] =	wrdreg $0xA  }
0xb3: {  	_ =	task.clear_ibuf [dreg:s8], $0x6FFFF;
	_ =	strace $0x90000046  }
0xb4: {  	s29 =	simm.s32 $0xA;
	_ =	strace $0x80000048  }
0xb5: {  	_ =	swait.ge [sflag:s29], $0x1  }
0xb6: {  	[sflag:s29] =	ssyncadd.s32 $0xFFFFFFFF  }
0xb7: {  	_ =	strace $0x90000048  }
0xb8: {  	_ =	sfence  }
0xb9: {  	s30 =	sld [smem:$0x0];
	_ =	sdelay $0x2  }
0xba: {  	s31 =	sshll.u32 s1, $0xD;
	s1 =	sshrl.u32 s1, $0x2  }
0xbb: {  	s3 =	sand.u32 $0x4000, s31;
	s1 =	sadd.s32 s1, s30  }
0xbc: {  	s0 =	sor.u32 s3, s0;
	s1 =	sshll.u32 s1, $0x11  }
0xbd: {  	s0 =	sor.u32 s1, s0  }
0xbe: {  	s0 =	sadd.s32 $0x8F2B, s0  }
0xbf: {  	[sflag:s0] =	ssyncadd.remote.s32 $0x1  }
0xc0: {  	_ =	sfence.sel $0xFFFF  }
0xc1: {  	[dreg:$0x0] =	wrdreg $0xFFFFFFFF;
	(pc) =	sbr.abs _section_cstart, $3  }
0xc2: {  	[dreg:$0x1] =	wrdreg $0xFFFFFFFF  }
0xc3: {  	_ =	task.clear_ibuf [dreg:s8], $0x2FFFF;
	_ =	strace $0x9FFFFFFF  }
0xc4: {  	(tm) =	ssettm $0x7FFFFFFF  }
0xc5: {  	_ =	shalt  }
tec
execute0_lowered:
.L_overlay_start_1:
0x0: {  	(tag) =	ssettag $0x1  }
0x1: {  	s5 =	rddreg [dreg:$0x0]  }
0x2: {  	s6 =	rddreg [dreg:$0x1]  }
0x3: {  	s7 =	rddreg [dreg:$0x2]  }
0x4: {  	s0 =	rddreg [dreg:$0x3]  }
0x5: {  	s2 =	simm.s32 $0x0;
	s3 =	srdreg.scid;
	s1 =	stileid.u32  }
0x6: {  	s12 =	simm.s32 $0x1;
	s13 =	simm.s32 $0x4000;
	s14 =	simm.s32 $0x8400  }
0x7: {  	s15 =	simm.s32 $0xC400;
	s16 =	simm.s32 $0x0;
	[smem:$0x7FF] =	sst s2  }
0x8: {  	s3 =	sand.u32 $0x1, s3;
	s4 =	sshll.u32 s1, $0x7;
	_ =	strace $0x80000047  }
0x9: {  	s8 =	sshll.u32 s3, $0x6;
	s9 =	ssub.s32 $0x2, s3;
	s3 =	sadd.s32 $0x3600, s7  }
0xa: {  	s8 =	sor.u32 s8, s4;
	s10 =	sshrl.u32 s9, $0x1;
	s4 =	sadd.s32 $0x403600, s7  }
0xb: {  	s11 =	sadd.s32 s8, s7;
	s9 =	ssub.s32 s9, s10;
	s5 =	sadd.s32 s5, s8  }
0xc: {  	s6 =	sadd.s32 s6, s8;
	s10 =	simm.s32 $0x2;
	s7 =	sadd.s32 $0x483600, s11  }
0xd: {  	s8 =	sadd.s32 $0x493600, s11;
	s9 =	smax.u32 s9, $0x1;
	s11 =	simm.s32 $0x200  }
.LBB2_1:
0xe: {  	[tilespmem:s2], [sflag:$0x2] =	stream.linear.gather [hbm4b:s5+s2], $0x200, $0x38;
	[tilespmem:$0x10400] =	vst v63  }
0xf: {  	_ =	swait.ge [sflag:s10], $0x200  }
0x10: {  	[sflag:s10] =	ssyncset.done $0x0  }
0x11: {  	[sflag:s10] =	ssyncadd.s32 $0xFFFFFE00  }
0x12: {  	[tilespmem:s11], [sflag:$0x2] =	stream.linear.gather [hbm4b:s6+s2], $0x200, $0x38;
	[tilespmem:$0x10400] =	vst v63  }
0x13: {  	_ =	swait.ge [sflag:s10], $0x200  }
0x14: {  	s17 =	simm.s32 $0x400;
	[sflag:s10] =	ssyncset.done $0x0  }
0x15: {  	s18 =	simm.s32 $0x4400;
	s19 =	simm.s32 $0x0;
	[sflag:s10] =	ssyncadd.s32 $0xFFFFFE00  }
.LBB2_2:
0x16: {  	s20 =	simm.s32 $0x0  }
0x17: {  	v0 =	vld [tilespmem:s20+$0x0];
	_ =	sdelay $0x3  }
0x18: {  	s21 =	sand.u32 $0x18, s19  }
0x19: {  	v1 =	vmov s17;
	v2 =	vmov s21;
	v3 =	vshrl.u32 v0, $0x11  }
0x1a: {  	s30 =	sshll.u32 s19, $0x11;
	v3 =	vadd.s32 v2, v3  }
0x1b: {  	s21 =	sand.u32 $0xE0000, s30;
	v4 =	vand.u32 $0x1FFFF, v0;
	v3 =	vshll.u32 v3, $0x14  }
0x1c: {  	v0 =	vmov s21;
	v3 =	vor.u32 v4, v3  }
0x1d: {  	v3 =	vor.u32 v0, v3  }
0x1e: {  	[tilespmem:v1+s20+$0x0 ss:$0x1] =	vst.idx.msk $0xffff, v3  }
0x1f: {  	v3 =	vld [tilespmem:s20+$0x200];
	_ =	sdelay $0x3  }
0x20: {  	s31 =	sshrl.u32 s19, $0x3  }
0x21: {  	v4 =	vmov s31;
	v5 =	vshrl.u32 v3, $0x11  }
0x22: {  	v5 =	vadd.s32 v4, v5  }
0x23: {  	v3 =	vand.u32 $0x1FFFF, v3;
	v5 =	vshll.u32 v5, $0x14  }
0x24: {  	v5 =	vor.u32 v3, v5;
	v3 =	vmov s18;
	_ =	sdelay $0x2  }
0x25: {  	s22 =	simm.s32 $0x80;
	s21 =	simm.s32 $0x40;
	v5 =	vor.u32 v0, v5  }
.LBB2_3:
0x26: {  	p0 =	sne.s32 s22, $0x7C0  }
0x27: {  	[tilespmem:v3+s20+$0x0 ss:$0x1] =	vst.idx.msk $0xffff, v5;
	s20 =	sshra.s32 s21, $0x2;
	s21 =	smov.u32 s22;
	s22 =	sadd.s32 $0x40, s22  }
0x28: {  	v5 =	vld [tilespmem:s20+$0x0];
	_ =	sdelay $0x4  }
0x29: {  	v6 =	vshrl.u32 v5, $0x11  }
0x2a: {  	v6 =	vadd.s32 v2, v6  }
0x2b: {  	v5 =	vand.u32 $0x1FFFF, v5;
	v6 =	vshll.u32 v6, $0x14  }
0x2c: {  	v5 =	vor.u32 v5, v6  }
0x2d: {  	v5 =	vor.u32 v0, v5  }
0x2e: {  	[tilespmem:v1+s20+$0x0 ss:$0x1] =	vst.idx.msk $0xffff, v5  }
0x2f: {  	v5 =	vld [tilespmem:s20+$0x200];
	_ =	sdelay $0x4  }
.Ltmp0:
0x30: {  	v6 =	vshrl.u32 v5, $0x11;
	(pc) =	sbr.rel @p0 .LBB2_3-.Ltmp0, $4  }
0x31: {  	v6 =	vadd.s32 v4, v6  }
0x32: {  	v5 =	vand.u32 $0x1FFFF, v5;
	v6 =	vshll.u32 v6, $0x14  }
0x33: {  	v5 =	vor.u32 v5, v6  }
0x34: {  	v5 =	vor.u32 v0, v5  }
0x35: {  	_ =	sdelay $0x3  }
0x36: {  	s21 =	sshra.s32 s21, $0x2;
	[tilespmem:v3+s20+$0x0 ss:$0x1] =	vst.idx.msk $0xffff, v5  }
0x37: {  	v5 =	vld [tilespmem:s21+$0x0];
	_ =	sdelay $0x4  }
0x38: {  	v6 =	vshrl.u32 v5, $0x11  }
0x39: {  	v2 =	vadd.s32 v2, v6  }
0x3a: {  	v5 =	vand.u32 $0x1FFFF, v5;
	v2 =	vshll.u32 v2, $0x14  }
0x3b: {  	v2 =	vor.u32 v5, v2  }
0x3c: {  	v2 =	vor.u32 v0, v2  }
0x3d: {  	[tilespmem:v1+s21+$0x0 ss:$0x1] =	vst.idx.msk $0xffff, v2  }
0x3e: {  	v1 =	vld [tilespmem:s21+$0x200];
	_ =	sdelay $0x3  }
0x3f: {  	s19 =	sadd.s32 $0x1, s19  }
0x40: {  	p0 =	sne.s32 s19, $0x20;
	v62 =	vshrl.u32 v1, $0x11  }
.Ltmp1:
0x41: {  	v2 =	vadd.s32 v4, v62;
	(pc) =	sbr.rel @p0 .LBB2_2-.Ltmp1, $4  }
0x42: {  	v1 =	vand.u32 $0x1FFFF, v1;
	v2 =	vshll.u32 v2, $0x14  }
0x43: {  	v1 =	vor.u32 v1, v2  }
0x44: {  	v63 =	vor.u32 v0, v1  }
0x45: {  	s17 =	sadd.s32 $0x200, s17;
	s18 =	sadd.s32 $0x200, s18;
	[tilespmem:v3+s21+$0x0 ss:$0x1] =	vst.idx.msk $0xffff, v63  }
0x46: {  	s17 =	simm.s32 $0x8400;
	s18 =	simm.s32 $0x400  }
0x47: {  	[tilespmem:s17], [sflag:$0x1] =	stream.indirect.gather [hbm4b:s3+s11], $0x1, s18, s11, $0xb8;
	[tilespmem:$0x10400] =	vst v63  }
0x48: {  	s19 =	simm.s32 $0x4400;
	s17 =	simm.s32 $0x800;
	s18 =	simm.s32 $0xC400  }
.LBB2_6:
0x49: {  	[tilespmem:s18], [sflag:$0x1] =	stream.indirect.gather [hbm4b:s4+s11], $0x1, s19, s11, $0xb8;
	[tilespmem:$0x10400] =	vst v63  }
0x4a: {  	s18 =	smov.u32 s17;
	p0 =	sne.s32 s17, $0xF800  }
.Ltmp2:
0x4b: {  	s17 =	sadd.s32 $0x800, s17;
	(pc) =	sbr.rel @p0 .LBB2_6-.Ltmp2, $4  }
0x4c: {  	s19 =	sshra.s32 s18, $0x2  }
0x4d: {  	s18 =	sadd.s32 $0x8400, s19;
	s20 =	sadd.s32 $0x400, s19  }
0x4e: {  	[tilespmem:s18], [sflag:$0x1] =	stream.indirect.gather [hbm4b:s3+s11], $0x1, s20, s11, $0xb8;
	[tilespmem:$0x10400] =	vst v63  }
0x4f: {  	s18 =	sadd.s32 $0xC400, s19;
	s19 =	sadd.s32 $0x4400, s19  }
0x50: {  	[tilespmem:s18], [sflag:$0x1] =	stream.indirect.gather [hbm4b:s4+s11], $0x1, s19, s11, $0xb8;
	[tilespmem:$0x10400] =	vst v63  }
0x51: {  	_ =	swait.ge [sflag:s12], $0x200  }
0x52: {  	[sflag:s12] =	ssyncset.done $0x0  }
0x53: {  	[sflag:s12] =	ssyncadd.s32 $0xFFFFFE00  }
0x54: {  	_ =	swait.ge [sflag:s12], $0x200  }
0x55: {  	s17 =	simm.s32 $0x1F;
	[sflag:s12] =	ssyncset.done $0x0  }
.LBB2_8:
0x56: {  	p0 =	sne.s32 s17, $0x1;
	s17 =	sadd.s32 $0xFFFFFFFF, s17;
	[sflag:s12] =	ssyncadd.s32 $0xFFFFFE00  }
.Ltmp3:
0x57: {  	_ =	swait.ge [sflag:s12], $0x200;
	(pc) =	sbr.rel @p0 .LBB2_8-.Ltmp3, $4  }
0x58: {  	[sflag:s12] =	ssyncset.done $0x0  }
0x59: {  	[sflag:s12] =	ssyncadd.s32 $0xFFFFFE00  }
0x5a: {  	_ =	swait.ge [sflag:s12], $0x200  }
0x5b: {  	[sflag:s12] =	ssyncset.done $0x0  }
0x5c: {  	[sflag:s12] =	ssyncadd.s32 $0xFFFFFE00  }
0x5d: {  	[hbm4b:s7+s11] =	stream.strided.scatter [tilespmem:s14], [sflag:$0x2], $0x4000, s13, s11, $0x38;
	[tilespmem:$0x10400] =	vst v63  }
0x5e: {  	s16 =	sadd.s32 $0x1, s16;
	_ =	swait.ge [sflag:s10], $0x4000  }
0x5f: {  	p0 =	sne.s32 s16, s9;
	[sflag:s10] =	ssyncset.done $0x0  }
.Ltmp4:
0x60: {  	[sflag:s10] =	ssyncadd.s32 $0xFFFFC000;
	(pc) =	sbr.rel @p0 .LBB2_1-.Ltmp4, $4  }
0x61: {  	[hbm4b:s8+s11] =	stream.strided.scatter [tilespmem:s15], [sflag:$0x2], $0x4000, s13, s11, $0x38;
	[tilespmem:$0x10400] =	vst v63  }
0x62: {  	_ =	swait.ge [sflag:s10], $0x4000  }
0x63: {  	[sflag:s10] =	ssyncset.done $0x0  }
0x64: {  	[sflag:s10] =	ssyncadd.s32 $0xFFFFC000  }
0x65: {  	_ =	sfence.sel $0x180000  }
0x66: {  	[bflag:$0x0] =	sbarrier.arrive $0xFFFF  }
0x67: {  	p0 =	sne.s32 s1, $0x0;
	_ =	strace $0x90000047  }
0x68: {  	s0 =	sadd.s32 @!p0 $0x100000, s0;
	[bflag:$0x2] =	sbarrier.arrive $0xFFFF  }
0x69: {  	[sflag:s0] =	ssyncadd.tile.s32 @!p0 $0x1;
	_ =	shalt  }
.Lfunc_end2:
_tile_overlayer_lowered:
.L_overlay_start_2:
0x6a: {  	(tag) =	ssettag $0x2  }
0x6b: {  	s0 =	rddreg [dreg:$0x0];
	s2 =	stileid.u32  }
0x6c: {  	s1 =	rddreg [dreg:$0x1];
	p0 =	sne.s32 s2, $0x0  }
0x6d: {  	s3 =	rddreg [dreg:$0x2];
	[bflag:$0x3] =	sbarrier.arrive $0xFFFF;
	s2 =	simm.s32 @!p0 $0x1C02  }
0x6e: {  	[timem:s3], [sflag:s2] =	dma.local @!p0 [hbm:s0], s1  }
0x6f: {  	s0 =	simm.s32 @!p0 $0x2  }
0x70: {  	_ =	swait.ge @!p0 [sflag:s0], s1  }
0x71: {  	s1 =	ssub.s32 @!p0 $0x0, s1;
	[sflag:s0] =	ssyncset.done @!p0 $0x0  }
0x72: {  	[sflag:s0] =	ssyncadd.s32 @!p0 s1  }
0x73: {  	[bflag:$0x3] =	sbarrier.arrive $0xFFFF  }
0x74: {  	_ =	shalt  }

// kernel: kernel.7.cloned.1.call-start
scs
__scs_entry_jumppad:
0x0: {  	(pc) =	sbr.rel $0x88, $3  }
0x1: {  	(tag) =	ssettag $0x0;
	lr =	simm.s32 $0x1  }
0x2: {  	[smem:$0x3F91] =	sst lr;
	_ =	strace $0xD0000000  }
0x3: {  	_ = 	snop  }
0x4: {  	_ = 	snop  }
0x5: {  	_ = 	snop  }
0x6: {  	_ = 	snop  }
0x7: {  	_ = 	snop  }
__scs_overlays_trampoline_lowered:
0x8: {  	[smem:$0x3FA0] =	sst s0  }
0x9: {  	[smem:$0x3FA1] =	sst s1  }
0xa: {  	[smem:$0x3FA2] =	sst s2  }
0xb: {  	[smem:$0x3FA3] =	sst s3  }
0xc: {  	[smem:$0x3FA4] =	sst s4  }
0xd: {  	[smem:$0x3FA5] =	sst s5  }
0xe: {  	[smem:$0x3FA6] =	sst s6  }
0xf: {  	[smem:$0x3FA7] =	sst s7  }
0x10: {  	[smem:$0x3FA8] =	sst s8  }
0x11: {  	[smem:$0x3FA9] =	sst s9;
	s0 =	simm.s32 @!p0 $0x0  }
0x12: {  	s1 =	sld [smem:$0x3F8F];
	s0 =	simm.s32 @p0 $0x1  }
0x13: {  	[smem:$0x3FAA] =	sst s0;
	s0 =	simm.s32 @!p1 $0x0  }
0x14: {  	s2 =	sld [smem:$0x3F8E];
	s0 =	simm.s32 @p1 $0x1  }
0x15: {  	[smem:$0x3FAB] =	sst s0;
	s0 =	simm.s32 @!p2 $0x0  }
0x16: {  	s3 =	sld [smem:$0x3FDB];
	s0 =	simm.s32 @p2 $0x1  }
0x17: {  	s4 =	simm.s32 $0x1BF5;
	[smem:$0x3FAD] =	sst s0  }
0x18: {  	s0 =	sld [smem:$0x3F90];
	_ =	swait.ge [sflag:s4], $0x0  }
0x19: {  	s7 =	sld [smem:$0x3F91]  }
0x1a: {  	s8 =	sadd.s32 $0xFFFFE003, lr  }
0x1b: {  	s9 =	sadd.s32 $0xFFFFFEF7, lr;
	s5 =	simm.s32 $0xFFFFFFFF;
	p2 =	slt.u32 s8, $0xFFFFF086  }
0x1c: {  	p1 =	slt.u32 s9, $0xF7A;
	s5 =	simm.s32 @!p2 $0x0  }
0x1d: {  	s5 =	simm.s32 @p1 $0x1;
	p0 =	seq.s32 s7, s2  }
0x1e: {  	s7 =	smul.u32 @!p0 $0xF7A, s2;
	p2 =	seq.s32 @!p0 s5, $0x0  }
0x1f: {  	s9 =	smul.u32 $0xF7A, s1;
	s8 =	simm.s32 @!p0 $0x1BF5;
	p2 =	por !p2, p0  }
0x20: {  	[sflag:s8] =	ssyncset.s32 @!p0 $0xFFFFF086;
	s6 =	sadd.s32 @!p0 s3, s7;
	s7 =	simm.s32 @!p0 $0x108  }
0x21: {  	s3 =	sadd.s32 s3, s9;
	s6 =	sadd.s32 @!p0 $0x88, s6;
	s7 =	simm.s32 @p2 $0x1082  }
0x22: {  	[simem:s7], [sflag:s8] =	dma.local @!p0 [hbm:s6], $0xF7A  }
0x23: {  	s9 =	sor.u32 $0xD0000000, s2;
	s6 =	simm.s32 $0x108;
	_ =	swait.ge @!p0 [sflag:s8], $0x0  }
0x24: {  	s3 =	sadd.s32 $0x88, s3;
	s6 =	simm.s32 @!p1 $0x1082;
	[sflag:s4] =	ssyncset.s32 $0xFFFFF086  }
0x25: {  	[simem:s6], [sflag:s4] =	dma.local [hbm:s3], $0xF7A  }
0x26: {  	[smem:$0x3F91] =	sst s1;
	(tag) =	ssettag s2;
	_ =	strace s9  }
0x27: {  	s1 =	sld [smem:$0x3FA1]  }
0x28: {  	s2 =	sld [smem:$0x3FA2]  }
0x29: {  	s4 =	sld [smem:$0x3FA4]  }
0x2a: {  	p0 =	seq.s32 s5, $0x0;
	s5 =	sld [smem:$0x3FA5]  }
0x2b: {  	s6 =	sld [smem:$0x3FA6]  }
0x2c: {  	s7 =	sld [smem:$0x3FA7]  }
0x2d: {  	s3 =	simm.s32 $0x108;
	s8 =	sld [smem:$0x3FA8]  }
0x2e: {  	s3 =	simm.s32 @!p0 $0x1082;
	s9 =	sld [smem:$0x3FA9]  }
0x2f: {  	lr =	sadd.s32 s0, s3;
	s0 =	sld [smem:$0x3FA0]  }
0x30: {  	s3 =	sld [smem:$0x3FA3]  }
0x31: {  	[smem:$0x3FAC] =	sst s10  }
0x32: {  	s10 =	sld [smem:$0x3FAA];
	_ =	sdelay $0x3  }
0x33: {  	p0 =	seq.s32 s10, $0x1;
	s10 =	sld [smem:$0x3FAC];
	_ =	sdelay $0x3  }
0x34: {  	[smem:$0x3FAC] =	sst s10  }
0x35: {  	s10 =	sld [smem:$0x3FAB];
	_ =	sdelay $0x3  }
0x36: {  	p1 =	seq.s32 s10, $0x1;
	s10 =	sld [smem:$0x3FAC];
	_ =	sdelay $0x3  }
0x37: {  	[smem:$0x3FAC] =	sst s10  }
0x38: {  	s10 =	sld [smem:$0x3FAD]  }
0x39: {  	_ = 	snop;
	(pc) =	sbr.ind lr, $3  }
0x3a: {  	_ = 	snop  }
0x3b: {  	_ = 	snop  }
0x3c: {  	p2 =	seq.s32 s10, $0x1;
	s10 =	sld [smem:$0x3FAC]  }
0x3d: {  	_ =	shalt  }
0x3e: {  	_ =	shalt  }
0x3f: {  	_ =	shalt  }
0x40: {  	_ =	shalt  }
0x41: {  	_ =	shalt  }
0x42: {  	_ =	shalt  }
0x43: {  	_ =	shalt  }
0x44: {  	_ =	shalt  }
0x45: {  	_ =	shalt  }
0x46: {  	_ =	shalt  }
0x47: {  	_ =	shalt  }
0x48: {  	_ =	shalt  }
0x49: {  	_ =	shalt  }
0x4a: {  	_ =	shalt  }
0x4b: {  	_ =	shalt  }
0x4c: {  	_ =	shalt  }
0x4d: {  	_ =	shalt  }
0x4e: {  	_ =	shalt  }
0x4f: {  	_ =	shalt  }
0x50: {  	_ =	shalt  }
0x51: {  	_ =	shalt  }
0x52: {  	_ =	shalt  }
0x53: {  	_ =	shalt  }
0x54: {  	_ =	shalt  }
0x55: {  	_ =	shalt  }
0x56: {  	_ =	shalt  }
0x57: {  	_ =	shalt  }
0x58: {  	_ =	shalt  }
0x59: {  	_ =	shalt  }
0x5a: {  	_ =	shalt  }
0x5b: {  	_ =	shalt  }
0x5c: {  	_ =	shalt  }
0x5d: {  	_ =	shalt  }
0x5e: {  	_ =	shalt  }
0x5f: {  	_ =	shalt  }
0x60: {  	_ =	shalt  }
0x61: {  	_ =	shalt  }
0x62: {  	_ =	shalt  }
0x63: {  	_ =	shalt  }
0x64: {  	_ =	shalt  }
0x65: {  	_ =	shalt  }
0x66: {  	_ =	shalt  }
0x67: {  	_ =	shalt  }
0x68: {  	_ =	shalt  }
0x69: {  	_ =	shalt  }
0x6a: {  	_ =	shalt  }
0x6b: {  	_ =	shalt  }
0x6c: {  	_ =	shalt  }
0x6d: {  	_ =	shalt  }
0x6e: {  	_ =	shalt  }
0x6f: {  	_ =	shalt  }
0x70: {  	_ =	shalt  }
0x71: {  	_ =	shalt  }
0x72: {  	_ =	shalt  }
0x73: {  	_ =	shalt  }
0x74: {  	_ =	shalt  }
0x75: {  	_ =	shalt  }
0x76: {  	_ =	shalt  }
0x77: {  	_ =	shalt  }
0x78: {  	_ =	shalt  }
0x79: {  	_ =	shalt  }
0x7a: {  	_ =	shalt  }
0x7b: {  	_ =	shalt  }
0x7c: {  	_ =	shalt  }
0x7d: {  	_ =	shalt  }
0x7e: {  	_ =	shalt  }
0x7f: {  	_ =	shalt  }
0x80: {  	_ =	shalt  }
0x81: {  	_ =	shalt  }
0x82: {  	_ =	shalt  }
0x83: {  	_ =	shalt  }
0x84: {  	_ =	shalt  }
0x85: {  	_ =	shalt  }
0x86: {  	_ =	shalt  }
0x87: {  	_ =	shalt  }
.Lfunc_end0:
.L_simem_size_0:
called_computation_lowered:
.L_overlay_start_0:
0x88: {  	s2 =	sld [smem:$0x3FD9]  }
0x89: {  	s3 =	sld [smem:$0x3FFE];
	_ =	sdelay $0x1  }
0x8a: {  	s1 =	srdreg.scid  }
0x8b: {  	s0 =	sand.u32 $0x1, s1  }
0x8c: {  	s17 =	sshll.u32 s0, $0xA;
	s2 =	sadd.s32 s3, s2  }
0x8d: {  	s2 =	sadd.s32 s2, s17  }
0x8e: {  	[smem:$0x3FB8] =	sst s2  }
0x8f: {  	_ = 	snop  }
0x90: {  	(tm) =	ssettm $0x1  }
0x91: {  	s18 =	sld [smem:$0x3FFB];
	_ =	sdelay $0x3  }
0x92: {  	_ =	strace s18  }
0x93: {  	s2 =	sld [smem:$0x3FFC];
	_ =	sdelay $0x3  }
0x94: {  	_ =	strace s2  }
0x95: {  	s2 =	sld [smem:$0x3FFD];
	_ =	sdelay $0x3  }
0x96: {  	_ =	strace s2  }
0x97: {  	_ =	strace $0x8FFFFFFF  }
0x98: {  	s19 =	sld [smem:$0x3FDB];
	_ =	sdelay $0x1  }
0x99: {  	s20 =	simm.s32 $_scs_section_size  }
0x9a: {  	s4 =	simm.s32 $_size__tile_overlayer_lowered;
	s5 =	simm.s32 $_tile_overlayer_lowered  }
0x9b: {  	s6 =	simm.s32 $0x1BFF;
	s21 =	sshll.u32 s5, $0x1;
	s3 =	sadd.s32 s20, s19  }
0x9c: {  	s22 =	simm.s32 $0x0;
	s4 =	sshll.u32 s4, $0x1;
	s5 =	sadd.s32 s21, s3  }
0x9d: {  	[timem:s22], [sflag:s6] =	dma.local [hbm:s5], s4  }
0x9e: {  	_ =	swait.ge [sflag:s6], s4  }
0x9f: {  	s4 =	ssub.s32 $0x0, s4;
	[sflag:s6] =	ssyncset.done $0x0  }
0xa0: {  	[sflag:s6] =	ssyncadd.s32 s4;
	_ =	sdelay $0x1  }
0xa1: {  	s23 =	simm.s32 $0x1B8B  }
0xa2: {  	_ =	swait.ge [sflag:s23], $0x1  }
0xa3: {  	[sflag:s23] =	ssyncset.done $0x0  }
0xa4: {  	[sflag:s23] =	ssyncadd.s32 $0xFFFFFFFF  }
0xa5: {  	s4 =	sld [smem:$0x0]  }
0xa6: {  	s5 =	sand.u32 $0xFFFFFFFE, s1  }
0xa7: {  	p0 =	sne.s32 s1, s5  }
0xa8: {  	s5 =	sshll.u32 @p0 s5, $0xE  }
0xa9: {  	s5 =	sadd.s32 @p0 $0x11B8D, s5;
	s6 =	sshll.u32 @p0 s4, $0x11  }
0xaa: {  	s5 =	sor.u32 @p0 s6, s5  }
0xab: {  	[sflag:s5] =	ssyncadd.remote.s32 @p0 $0x1;
	_ =	sdelay $0x1  }
0xac: {  	s5 =	simm.s32 @p0 $0x1B8D  }
0xad: {  	_ =	swait.eq @p0 [sflag:s5], $0x1  }
0xae: {  	[sflag:s5] =	ssyncadd.s32 @p0 $0xFFFFFFFF  }
0xaf: {  	s6 =	sshll.u32 @!p0 s1, $0xE  }
0xb0: {  	s6 =	sor.u32 @!p0 $0x4000, s6;
	s5 =	simm.s32 @!p0 $0x1B8D  }
0xb1: {  	s4 =	sshll.u32 @!p0 s4, $0x11;
	s6 =	sadd.s32 @!p0 $0x11B8D, s6;
	_ =	swait.eq @!p0 [sflag:s5], $0x1  }
0xb2: {  	s4 =	sor.u32 @!p0 s4, s6;
	[sflag:s5] =	ssyncadd.s32 @!p0 $0xFFFFFFFF  }
0xb3: {  	s25 =	simm.s32 $0x1B8E;
	s24 =	sld [smem:$0x3FFE];
	[sflag:s4] =	ssyncadd.remote.s32 @!p0 $0x1  }
0xb4: {  	s26 =	simm.s32 $execute0_lowered;
	[smem:$0x3FD2] =	sst s25  }
0xb5: {  	s5 =	sshll.u32 s26, $0x1;
	_ =	strace $0x80000049;
	[dreg:$0x1] =	wrdreg $0xFFFFFFFF  }
0xb6: {  	s28 =	simm.s32 $_size_execute0_lowered;
	s3 =	sadd.s32 s3, s5;
	[dreg:$0x0] =	wrdreg $0x0  }
0xb7: {  	s5 =	sshll.u32 s28, $0x1;
	[dreg:$0x2] =	wrdreg s3  }
0xb8: {  	[dreg:$0x3] =	wrdreg s5  }
0xb9: {  	[dreg:$0x4] =	wrdreg $0xC0  }
0xba: {  	_ =	task [dreg:s22], $0x5FFFF  }
0xbb: {  	[dreg:$0x1] =	wrdreg $0xFFFFFFFF  }
0xbc: {  	[dreg:$0x0] =	wrdreg $0x60  }
0xbd: {  	[dreg:$0x2] =	wrdreg s24  }
0xbe: {  	[dreg:$0x3] =	wrdreg $0x9  }
0xbf: {  	_ =	task.clear_ibuf [dreg:s22], $0x4FFFF;
	_ =	strace $0x90000049  }
0xc0: {  	s29 =	simm.s32 $0x9;
	_ =	strace $0x8000004B  }
0xc1: {  	_ =	swait.ge [sflag:s29], $0x1  }
0xc2: {  	[sflag:s29] =	ssyncadd.s32 $0xFFFFFFFF  }
0xc3: {  	_ =	strace $0x9000004B  }
0xc4: {  	_ =	sfence  }
0xc5: {  	s30 =	sld [smem:$0x0];
	_ =	sdelay $0x2  }
0xc6: {  	s31 =	sshll.u32 s1, $0xD;
	s1 =	sshrl.u32 s1, $0x2  }
0xc7: {  	s4 =	sand.u32 $0x4000, s31;
	s1 =	sadd.s32 s1, s30  }
0xc8: {  	s0 =	sor.u32 s4, s0;
	s1 =	sshll.u32 s1, $0x11  }
0xc9: {  	s0 =	sor.u32 s1, s0  }
0xca: {  	s0 =	sadd.s32 $0x8F2B, s0  }
0xcb: {  	[sflag:s0] =	ssyncadd.remote.s32 $0x1  }
0xcc: {  	_ =	sfence.sel $0xFFFF  }
0xcd: {  	[dreg:$0x0] =	wrdreg $0xFFFFFFFF;
	(pc) =	sbr.abs _section_cstart, $3  }
0xce: {  	[dreg:$0x1] =	wrdreg $0xFFFFFFFF  }
0xcf: {  	_ =	task.clear_ibuf [dreg:s22], $0x2FFFF;
	_ =	strace $0x9FFFFFFF  }
0xd0: {  	(tm) =	ssettm $0x7FFFFFFF  }
0xd1: {  	_ =	shalt  }
tec
execute0_lowered:
.L_overlay_start_1:
0x0: {  	(tag) =	ssettag $0x1  }
0x1: {  	s0 =	rddreg [dreg:$0x0];
	s1 =	srdreg.scid  }
0x2: {  	s3 =	stileid.u32;
	s2 =	simm.s32 $0x0;
	s13 =	simm.s32 $0x200  }
0x3: {  	s14 =	simm.s32 $0x4000;
	s15 =	simm.s32 $0x5;
	s16 =	simm.s32 $0x2800  }
0x4: {  	s17 =	simm.s32 $0x3000;
	s18 =	simm.s32 $0x8000;
	s19 =	simm.s32 $0xC000  }
0x5: {  	s20 =	simm.s32 $0x10000;
	s21 =	simm.s32 $0x1;
	s23 =	simm.s32 $0x2  }
0x6: {  	s25 =	simm.s32 $0x3;
	s28 =	simm.s32 $0x4;
	s22 =	simm.s32 $0x2000  }
0x7: {  	s24 =	simm.s32 $0x2200;
	s26 =	simm.s32 $0x2400;
	s29 =	simm.s32 $0x2600  }
0x8: {  	s30 =	simm.s32 $0x0;
	s1 =	sand.u32 $0x1, s1;
	s3 =	sshll.u32 s3, $0xA  }
0x9: {  	[smem:$0x7FF] =	sst s2;
	s5 =	sadd.s32 $0x4B4600, s0;
	s4 =	sshll.u32 s1, $0x9  }
0xa: {  	_ =	strace $0x8000004A;
	s1 =	ssub.s32 $0x2, s1;
	s4 =	sor.u32 s4, s3  }
0xb: {  	s10 =	sshrl.u32 s1, $0x1;
	s3 =	sshrl.u32 s4, $0x3;
	s6 =	sshll.u32 s4, $0x2  }
0xc: {  	s4 =	sadd.s32 $0x4B3600, s0;
	s8 =	sadd.s32 s3, s0;
	s3 =	sadd.s32 $0x63A000, s0  }
0xd: {  	s0 =	sadd.s32 s6, s0;
	s6 =	sadd.s32 $0x4A3600, s8;
	s7 =	sadd.s32 $0x4AD600, s8  }
0xe: {  	s1 =	ssub.s32 s1, s10;
	s8 =	sadd.s32 $0x4AF600, s8;
	s9 =	sadd.s32 $0x4C5600, s0  }
0xf: {  	s12 =	smax.u32 s1, $0x1;
	s10 =	sadd.s32 $0x4D5600, s0;
	s11 =	sadd.s32 $0x4B5600, s0  }
.LBB2_1:
0x10: {  	[tilespmem:s2], [sflag:$0x5] =	stream.strided.gather [hbm4b:s6+s13], $0x2800, s14, s13, $0x38;
	[tilespmem:$0x14000] =	vst v63  }
0x11: {  	_ =	swait.ge [sflag:s15], $0x2800  }
0x12: {  	[sflag:s15] =	ssyncset.done $0x0  }
0x13: {  	[sflag:s15] =	ssyncadd.s32 $0xFFFFD800  }
0x14: {  	[tilespmem:s16], [sflag:$0x5] =	stream.strided.gather [hbm4b:s7+s13], $0x800, s14, s13, $0x38;
	[tilespmem:$0x14000] =	vst v63  }
0x15: {  	_ =	swait.ge [sflag:s15], $0x800  }
0x16: {  	[sflag:s15] =	ssyncset.done $0x0  }
0x17: {  	[sflag:s15] =	ssyncadd.s32 $0xFFFFF800  }
0x18: {  	[tilespmem:s17], [sflag:$0x5] =	stream.strided.gather [hbm4b:s8+s13], $0x1000, s14, s13, $0x38;
	[tilespmem:$0x14000] =	vst v63  }
0x19: {  	_ =	swait.ge [sflag:s15], $0x1000  }
0x1a: {  	[sflag:s15] =	ssyncset.done $0x0  }
0x1b: {  	[sflag:s15] =	ssyncadd.s32 $0xFFFFF000  }
0x1c: {  	[tilespmem:s14], [sflag:$0x1] =	stream.indirect.gather [hbm4b:s3+s13], $0x20, s2, s13, $0xb8;
	[tilespmem:$0x14000] =	vst v63  }
0x1d: {  	_ = 	snop  }
0x1e: {  	[tilespmem:s18], [sflag:$0x2] =	stream.indirect.gather [hbm4b:s3+s13], $0x20, s13, s13, $0xb8;
	[tilespmem:$0x14000] =	vst v63  }
0x1f: {  	_ = 	snop  }
0x20: {  	[tilespmem:s19], [sflag:$0x3] =	stream.indirect.gather [hbm4b:s4+s13], $0x20, s16, s13, $0xb8;
	[tilespmem:$0x14000] =	vst v63  }
0x21: {  	_ = 	snop  }
0x22: {  	[tilespmem:s20], [sflag:$0x4] =	stream.indirect.gather [hbm4b:s5+s13], $0x20, s17, s13, $0xb8;
	[tilespmem:$0x14000] =	vst v63  }
0x23: {  	_ =	swait.ge [sflag:s21], $0x4000  }
0x24: {  	[sflag:s21] =	ssyncset.done $0x0  }
0x25: {  	s0 =	simm.s32 $0x400;
	[sflag:s21] =	ssyncadd.s32 $0xFFFFC000  }
0x26: {  	[tilespmem:s14], [sflag:$0x1] =	stream.indirect.gather.add.f32 [hbm:s3], $0x20, s0, s13, $0xb8;
	[tilespmem:$0x14000] =	vst v63  }
0x27: {  	_ =	swait.ge [sflag:s23], $0x4000  }
0x28: {  	[sflag:s23] =	ssyncset.done $0x0  }
0x29: {  	s1 =	simm.s32 $0x600;
	[sflag:s23] =	ssyncadd.s32 $0xFFFFC000  }
0x2a: {  	[tilespmem:s18], [sflag:$0x2] =	stream.indirect.gather.add.f32 [hbm:s3], $0x20, s1, s13, $0xb8;
	[tilespmem:$0x14000] =	vst v63  }
0x2b: {  	_ =	swait.ge [sflag:s25], $0x4000  }
0x2c: {  	[sflag:s25] =	ssyncset.done $0x0  }
0x2d: {  	s1 =	simm.s32 $0x2A00;
	[sflag:s25] =	ssyncadd.s32 $0xFFFFC000  }
0x2e: {  	[tilespmem:s19], [sflag:$0x3] =	stream.indirect.gather.add.f32 [hbm:s4], $0x20, s1, s13, $0xb8;
	[tilespmem:$0x14000] =	vst v63  }
0x2f: {  	_ =	swait.ge [sflag:s28], $0x4000  }
0x30: {  	[sflag:s28] =	ssyncset.done $0x0  }
0x31: {  	s1 =	simm.s32 $0x3200;
	[sflag:s28] =	ssyncadd.s32 $0xFFFFC000  }
0x32: {  	[tilespmem:s20], [sflag:$0x4] =	stream.indirect.gather.add.f32 [hbm:s5], $0x20, s1, s13, $0xb8;
	[tilespmem:$0x14000] =	vst v63  }
0x33: {  	_ =	swait.ge [sflag:s21], $0x4000  }
0x34: {  	[sflag:s21] =	ssyncset.done $0x0  }
0x35: {  	s1 =	simm.s32 $0x800;
	[sflag:s21] =	ssyncadd.s32 $0xFFFFC000  }
0x36: {  	[tilespmem:s14], [sflag:$0x1] =	stream.indirect.gather.add.f32 [hbm:s3], $0x20, s1, s13, $0xb8;
	[tilespmem:$0x14000] =	vst v63  }
0x37: {  	_ =	swait.ge [sflag:s23], $0x4000  }
0x38: {  	[sflag:s23] =	ssyncset.done $0x0  }
0x39: {  	s1 =	simm.s32 $0xA00;
	[sflag:s23] =	ssyncadd.s32 $0xFFFFC000  }
0x3a: {  	[tilespmem:s18], [sflag:$0x2] =	stream.indirect.gather.add.f32 [hbm:s3], $0x20, s1, s13, $0xb8;
	[tilespmem:$0x14000] =	vst v63  }
0x3b: {  	_ =	swait.ge [sflag:s25], $0x4000  }
0x3c: {  	[sflag:s25] =	ssyncset.done $0x0  }
0x3d: {  	s1 =	simm.s32 $0x2C00;
	[sflag:s25] =	ssyncadd.s32 $0xFFFFC000  }
0x3e: {  	[tilespmem:s19], [sflag:$0x3] =	stream.indirect.gather.add.f32 [hbm:s4], $0x20, s1, s13, $0xb8;
	[tilespmem:$0x14000] =	vst v63  }
0x3f: {  	_ =	swait.ge [sflag:s28], $0x4000  }
0x40: {  	[sflag:s28] =	ssyncset.done $0x0  }
0x41: {  	s1 =	simm.s32 $0x3400;
	[sflag:s28] =	ssyncadd.s32 $0xFFFFC000  }
0x42: {  	[tilespmem:s20], [sflag:$0x4] =	stream.indirect.gather.add.f32 [hbm:s5], $0x20, s1, s13, $0xb8;
	[tilespmem:$0x14000] =	vst v63  }
0x43: {  	_ =	swait.ge [sflag:s21], $0x4000  }
0x44: {  	[sflag:s21] =	ssyncset.done $0x0  }
0x45: {  	s1 =	simm.s32 $0xC00;
	[sflag:s21] =	ssyncadd.s32 $0xFFFFC000  }
0x46: {  	[tilespmem:s14], [sflag:$0x1] =	stream.indirect.gather.add.f32 [hbm:s3], $0x20, s1, s13, $0xb8;
	[tilespmem:$0x14000] =	vst v63  }
0x47: {  	_ =	swait.ge [sflag:s23], $0x4000  }
0x48: {  	[sflag:s23] =	ssyncset.done $0x0  }
0x49: {  	s1 =	simm.s32 $0xE00;
	[sflag:s23] =	ssyncadd.s32 $0xFFFFC000  }
0x4a: {  	[tilespmem:s18], [sflag:$0x2] =	stream.indirect.gather.add.f32 [hbm:s3], $0x20, s1, s13, $0xb8;
	[tilespmem:$0x14000] =	vst v63  }
0x4b: {  	_ =	swait.ge [sflag:s25], $0x4000  }
0x4c: {  	[sflag:s25] =	ssyncset.done $0x0  }
0x4d: {  	s1 =	simm.s32 $0x2E00;
	[sflag:s25] =	ssyncadd.s32 $0xFFFFC000  }
0x4e: {  	[tilespmem:s19], [sflag:$0x3] =	stream.indirect.gather.add.f32 [hbm:s4], $0x20, s1, s13, $0xb8;
	[tilespmem:$0x14000] =	vst v63  }
0x4f: {  	_ =	swait.ge [sflag:s28], $0x4000  }
0x50: {  	[sflag:s28] =	ssyncset.done $0x0  }
0x51: {  	s1 =	simm.s32 $0x3600;
	[sflag:s28] =	ssyncadd.s32 $0xFFFFC000  }
0x52: {  	[tilespmem:s20], [sflag:$0x4] =	stream.indirect.gather.add.f32 [hbm:s5], $0x20, s1, s13, $0xb8;
	[tilespmem:$0x14000] =	vst v63  }
0x53: {  	_ =	swait.ge [sflag:s21], $0x4000  }
0x54: {  	[sflag:s21] =	ssyncset.done $0x0  }
0x55: {  	s1 =	simm.s32 $0x1000;
	[sflag:s21] =	ssyncadd.s32 $0xFFFFC000  }
0x56: {  	[tilespmem:s14], [sflag:$0x1] =	stream.indirect.gather.add.f32 [hbm:s3], $0x20, s1, s13, $0xb8;
	[tilespmem:$0x14000] =	vst v63  }
0x57: {  	_ =	swait.ge [sflag:s23], $0x4000  }
0x58: {  	[sflag:s23] =	ssyncset.done $0x0  }
0x59: {  	s1 =	simm.s32 $0x1200;
	[sflag:s23] =	ssyncadd.s32 $0xFFFFC000  }
0x5a: {  	[tilespmem:s18], [sflag:$0x2] =	stream.indirect.gather.add.f32 [hbm:s3], $0x20, s1, s13, $0xb8;
	[tilespmem:$0x14000] =	vst v63  }
0x5b: {  	_ =	swait.ge [sflag:s28], $0x4000  }
0x5c: {  	[sflag:s28] =	ssyncset.done $0x0  }
0x5d: {  	s1 =	simm.s32 $0x3800;
	[sflag:s28] =	ssyncadd.s32 $0xFFFFC000  }
0x5e: {  	[tilespmem:s20], [sflag:$0x4] =	stream.indirect.gather.add.f32 [hbm:s5], $0x20, s1, s13, $0xb8;
	[tilespmem:$0x14000] =	vst v63  }
0x5f: {  	_ =	swait.ge [sflag:s21], $0x4000  }
0x60: {  	[sflag:s21] =	ssyncset.done $0x0  }
0x61: {  	s1 =	simm.s32 $0x1400;
	[sflag:s21] =	ssyncadd.s32 $0xFFFFC000  }
0x62: {  	[tilespmem:s14], [sflag:$0x1] =	stream.indirect.gather.add.f32 [hbm:s3], $0x20, s1, s13, $0xb8;
	[tilespmem:$0x14000] =	vst v63  }
0x63: {  	_ =	swait.ge [sflag:s23], $0x4000  }
0x64: {  	[sflag:s23] =	ssyncset.done $0x0  }
0x65: {  	s1 =	simm.s32 $0x1600;
	[sflag:s23] =	ssyncadd.s32 $0xFFFFC000  }
0x66: {  	[tilespmem:s18], [sflag:$0x2] =	stream.indirect.gather.add.f32 [hbm:s3], $0x20, s1, s13, $0xb8;
	[tilespmem:$0x14000] =	vst v63  }
0x67: {  	_ =	swait.ge [sflag:s28], $0x4000  }
0x68: {  	[sflag:s28] =	ssyncset.done $0x0  }
0x69: {  	s1 =	simm.s32 $0x3A00;
	[sflag:s28] =	ssyncadd.s32 $0xFFFFC000  }
0x6a: {  	[tilespmem:s20], [sflag:$0x4] =	stream.indirect.gather.add.f32 [hbm:s5], $0x20, s1, s13, $0xb8;
	[tilespmem:$0x14000] =	vst v63  }
0x6b: {  	_ =	swait.ge [sflag:s21], $0x4000  }
0x6c: {  	[sflag:s21] =	ssyncset.done $0x0  }
0x6d: {  	s1 =	simm.s32 $0x1800;
	[sflag:s21] =	ssyncadd.s32 $0xFFFFC000  }
0x6e: {  	[tilespmem:s14], [sflag:$0x1] =	stream.indirect.gather.add.f32 [hbm:s3], $0x20, s1, s13, $0xb8;
	[tilespmem:$0x14000] =	vst v63  }
0x6f: {  	_ =	swait.ge [sflag:s23], $0x4000  }
0x70: {  	[sflag:s23] =	ssyncset.done $0x0  }
0x71: {  	s1 =	simm.s32 $0x1A00;
	[sflag:s23] =	ssyncadd.s32 $0xFFFFC000  }
0x72: {  	[tilespmem:s18], [sflag:$0x2] =	stream.indirect.gather.add.f32 [hbm:s3], $0x20, s1, s13, $0xb8;
	[tilespmem:$0x14000] =	vst v63  }
0x73: {  	_ =	swait.ge [sflag:s28], $0x4000  }
0x74: {  	[sflag:s28] =	ssyncset.done $0x0  }
0x75: {  	s1 =	simm.s32 $0x3C00;
	[sflag:s28] =	ssyncadd.s32 $0xFFFFC000  }
0x76: {  	[tilespmem:s20], [sflag:$0x4] =	stream.indirect.gather.add.f32 [hbm:s5], $0x20, s1, s13, $0xb8;
	[tilespmem:$0x14000] =	vst v63  }
0x77: {  	_ =	swait.ge [sflag:s21], $0x4000  }
0x78: {  	[sflag:s21] =	ssyncset.done $0x0  }
0x79: {  	s1 =	simm.s32 $0x1C00;
	[sflag:s21] =	ssyncadd.s32 $0xFFFFC000  }
0x7a: {  	[tilespmem:s14], [sflag:$0x1] =	stream.indirect.gather.add.f32 [hbm:s3], $0x20, s1, s13, $0xb8;
	[tilespmem:$0x14000] =	vst v63  }
0x7b: {  	_ =	swait.ge [sflag:s23], $0x4000  }
0x7c: {  	[sflag:s23] =	ssyncset.done $0x0  }
0x7d: {  	s1 =	simm.s32 $0x1E00;
	[sflag:s23] =	ssyncadd.s32 $0xFFFFC000  }
0x7e: {  	[tilespmem:s18], [sflag:$0x2] =	stream.indirect.gather.add.f32 [hbm:s3], $0x20, s1, s13, $0xb8;
	[tilespmem:$0x14000] =	vst v63  }
0x7f: {  	_ =	swait.ge [sflag:s28], $0x4000  }
0x80: {  	[sflag:s28] =	ssyncset.done $0x0  }
0x81: {  	s1 =	simm.s32 $0x3E00;
	[sflag:s28] =	ssyncadd.s32 $0xFFFFC000  }
0x82: {  	[tilespmem:s20], [sflag:$0x4] =	stream.indirect.gather.add.f32 [hbm:s5], $0x20, s1, s13, $0xb8;
	[tilespmem:$0x14000] =	vst v63  }
0x83: {  	_ =	swait.ge [sflag:s21], $0x4000  }
0x84: {  	[sflag:s21] =	ssyncset.done $0x0  }
0x85: {  	[sflag:s21] =	ssyncadd.s32 $0xFFFFC000  }
0x86: {  	[tilespmem:s14], [sflag:$0x1] =	stream.indirect.gather.add.f32 [hbm:s3], $0x20, s22, s13, $0xb8;
	[tilespmem:$0x14000] =	vst v63  }
0x87: {  	_ =	swait.ge [sflag:s23], $0x4000  }
0x88: {  	[sflag:s23] =	ssyncset.done $0x0  }
0x89: {  	[sflag:s23] =	ssyncadd.s32 $0xFFFFC000  }
0x8a: {  	[tilespmem:s18], [sflag:$0x2] =	stream.indirect.gather.add.f32 [hbm:s3], $0x20, s24, s13, $0xb8;
	[tilespmem:$0x14000] =	vst v63  }
0x8b: {  	_ =	swait.ge [sflag:s21], $0x4000  }
0x8c: {  	[sflag:s21] =	ssyncset.done $0x0  }
0x8d: {  	[sflag:s21] =	ssyncadd.s32 $0xFFFFC000  }
0x8e: {  	[tilespmem:s14], [sflag:$0x1] =	stream.indirect.gather.add.f32 [hbm:s3], $0x20, s26, s13, $0xb8;
	[tilespmem:$0x14000] =	vst v63  }
0x8f: {  	_ =	swait.ge [sflag:s23], $0x4000  }
0x90: {  	[sflag:s23] =	ssyncset.done $0x0  }
0x91: {  	[sflag:s23] =	ssyncadd.s32 $0xFFFFC000  }
0x92: {  	[tilespmem:s18], [sflag:$0x2] =	stream.indirect.gather.add.f32 [hbm:s3], $0x20, s29, s13, $0xb8;
	[tilespmem:$0x14000] =	vst v63  }
0x93: {  	_ =	swait.ge [sflag:s25], $0x4000  }
0x94: {  	[sflag:s25] =	ssyncset.done $0x0  }
0x95: {  	[sflag:s25] =	ssyncadd.s32 $0xFFFFC000  }
0x96: {  	[hbm4b:s9+s2] =	stream.linear.scatter [tilespmem:s19], [sflag:$0x5], $0x4000, $0x38;
	[tilespmem:$0x14000] =	vst v63  }
0x97: {  	_ =	swait.ge [sflag:s15], $0x4000  }
0x98: {  	[sflag:s15] =	ssyncset.done $0x0  }
0x99: {  	[sflag:s15] =	ssyncadd.s32 $0xFFFFC000  }
0x9a: {  	_ =	swait.ge [sflag:s28], $0x4000  }
0x9b: {  	[sflag:s28] =	ssyncset.done $0x0  }
0x9c: {  	[sflag:s28] =	ssyncadd.s32 $0xFFFFC000  }
0x9d: {  	[hbm4b:s10+s2] =	stream.linear.scatter [tilespmem:s20], [sflag:$0x5], $0x4000, $0x38;
	[tilespmem:$0x14000] =	vst v63  }
0x9e: {  	_ =	swait.ge [sflag:s15], $0x4000  }
0x9f: {  	[sflag:s15] =	ssyncset.done $0x0  }
0xa0: {  	[sflag:s15] =	ssyncadd.s32 $0xFFFFC000  }
0xa1: {  	_ =	swait.ge [sflag:s21], $0x4000  }
0xa2: {  	[sflag:s21] =	ssyncset.done $0x0  }
0xa3: {  	[sflag:s21] =	ssyncadd.s32 $0xFFFFC000  }
0xa4: {  	_ =	swait.ge [sflag:s23], $0x4000  }
0xa5: {  	[sflag:s23] =	ssyncset.done $0x0  }
0xa6: {  	s31 =	simm.s32 $0x0;
	[sflag:s23] =	ssyncadd.s32 $0xFFFFC000  }
0xa7: {  	s0 =	simm.s32 $0x40;
	v0 =	vld [tilespmem:s31+$0x8000]  }
.LBB2_2:
0xa8: {  	p0 =	sne.s32 s0, $0xFFC0;
	v1 =	vld [tilespmem:s31+$0x4000];
	_ =	sdelay $0x2  }
.Ltmp0:
0xa9: {  	(pc) =	sbr.rel @p0 .LBB2_2-.Ltmp0, $4  }
0xaa: {  	_ = 	snop  }
0xab: {  	v1 =	vadd.f32 v0, v1  }
0xac: {  	s1 =	sshra.s32 s0, $0x2  }
0xad: {  	s0 =	sadd.s32 $0x40, s0;
	v0 =	vld [tilespmem:s1+$0x8000];
	[tilespmem:s31+$0x4000] =	vst v1;
	s31 =	smov.u32 s1  }
0xae: {  	v1 =	vld [tilespmem:s31+$0x4000];
	_ =	sdelay $0x4  }
0xaf: {  	s30 =	sadd.s32 $0x1, s30;
	v0 =	vadd.f32 v0, v1  }
0xb0: {  	p0 =	sne.s32 s30, s12  }
.Ltmp1:
0xb1: {  	[tilespmem:s31+$0x4000] =	vst v0;
	(pc) =	sbr.rel @p0 .LBB2_1-.Ltmp1, $4  }
0xb2: {  	[hbm4b:s11+s2] =	stream.linear.scatter [tilespmem:s14], [sflag:$0x5], $0x4000, $0x38;
	[tilespmem:$0x14000] =	vst v63  }
0xb3: {  	_ =	swait.ge [sflag:s15], $0x4000  }
0xb4: {  	[sflag:s15] =	ssyncset.done $0x0  }
0xb5: {  	[sflag:s15] =	ssyncadd.s32 $0xFFFFC000  }
0xb6: {  	_ =	sfence.sel $0x180000  }
0xb7: {  	[bflag:$0x0] =	sbarrier.arrive $0xFFFF  }
0xb8: {  	_ =	strace $0x9000004A  }
0xb9: {  	s0 =	stileid.u32;
	[bflag:$0x2] =	sbarrier.arrive $0xFFFF  }
0xba: {  	p0 =	sne.s32 s0, $0x0;
	s0 =	rddreg [dreg:$0x1]  }
0xbb: {  	s0 =	sadd.s32 @!p0 $0x100000, s0  }
0xbc: {  	[sflag:s0] =	ssyncadd.tile.s32 @!p0 $0x1;
	_ =	shalt  }
.Lfunc_end2:
_tile_overlayer_lowered:
.L_overlay_start_2:
0xbd: {  	(tag) =	ssettag $0x2  }
0xbe: {  	s0 =	rddreg [dreg:$0x0];
	s2 =	stileid.u32  }
0xbf: {  	s1 =	rddreg [dreg:$0x1];
	p0 =	sne.s32 s2, $0x0  }
0xc0: {  	s3 =	rddreg [dreg:$0x2];
	[bflag:$0x3] =	sbarrier.arrive $0xFFFF;
	s2 =	simm.s32 @!p0 $0x1C05  }
0xc1: {  	[timem:s3], [sflag:s2] =	dma.local @!p0 [hbm:s0], s1  }
0xc2: {  	s0 =	simm.s32 @!p0 $0x5  }
0xc3: {  	_ =	swait.ge @!p0 [sflag:s0], s1  }
0xc4: {  	s1 =	ssub.s32 @!p0 $0x0, s1;
	[sflag:s0] =	ssyncset.done @!p0 $0x0  }
0xc5: {  	[sflag:s0] =	ssyncadd.s32 @!p0 s1  }
0xc6: {  	[bflag:$0x3] =	sbarrier.arrive $0xFFFF  }
0xc7: {  	_ =	shalt  }

</sc_bundles>
